<compile_context>
chip_gen: v7x
topology: tpu7x:2x2x1
jax: 0.10.2.dev20260603
libtpu: 0.0.44.dev20260713+nightly
codegen_flags: <defaults>
</compile_context>

<pallas_src>
import functools

import jax
import jax.numpy as jnp
from jax import lax
from jax.experimental import pallas as pl
from jax.experimental.pallas import tpu as pltpu
from jax.experimental.pallas import tpu_sc as plsc

_N_ROWS, _N_COLS = 16384, 1024
_SC_ROWS = 6144
_TC_ROWS = _N_ROWS - _SC_ROWS
_NW = 32
_CHUNK = 16384
_N_SC = _SC_ROWS * _N_COLS
_PER_W = _N_SC // _NW
_N_CHUNKS = _PER_W // _CHUNK


def _cell_tables(g_table):
    xp = jnp.minimum(jnp.arange(9) + 1, 8)
    yp = jnp.minimum(jnp.arange(5) + 1, 4)
    t00 = g_table
    t01 = g_table[:, xp]
    t10 = g_table[yp, :]
    t11 = t10[:, xp]
    v, gx, gy, gxy = t00, t01 - t00, t10 - t00, t11 - t10 - t01 + t00

    def pad(a):
        return jnp.zeros((8, 16), jnp.float32).at[:5, :9].set(a).reshape(128)

    return pad(v), pad(gx), pad(gy), pad(gxy)


def _basis_coeffs(g_table):
    sx = jnp.diff(g_table, axis=1)
    cx = jnp.concatenate([g_table[:, :1], sx[:, :1], jnp.diff(sx, axis=1)], axis=1)
    sy = jnp.diff(cx, axis=0)
    return jnp.concatenate([cx[:1], sy[:1], jnp.diff(sy, axis=0)], axis=0)


def _sc_body(v_h, gx_h, gy_h, gxy_h, ibmin_h, ysc_h, phi_h, sq_h, out_h,
             v_t, gx_t, gy_t, gxy_t, ibmin_t, ysc_t,
             phi_v0, phi_v1, sq_v0, sq_v1, out_v0, out_v1,
             sp0, sp1, sqs0, sqs1, so0, so1):
    nc = 2
    wid = lax.axis_index("s") * nc + lax.axis_index("c")
    pltpu.sync_copy(v_h, v_t)
    pltpu.sync_copy(gx_h, gx_t)
    pltpu.sync_copy(gy_h, gy_t)
    pltpu.sync_copy(gxy_h, gxy_t)
    pltpu.sync_copy(ibmin_h, ibmin_t)
    pltpu.sync_copy(ysc_h, ysc_t)
    ib_min = ibmin_t[...]
    yscale = ysc_t[...]
    base = wid * _PER_W
    sps = (sp0, sp1)
    sqs = (sqs0, sqs1)
    sos = (so0, so1)
    phi_v = (phi_v0, phi_v1)
    sq_v = (sq_v0, sq_v1)
    out_v = (out_v0, out_v1)

    def in_phi(ci, b):
        off = base + ci * _CHUNK
        return pltpu.make_async_copy(
            phi_h.at[pl.ds(off, _CHUNK)], phi_v[b], sps[b])

    def in_sq(ci, b):
        off = base + ci * _CHUNK
        return pltpu.make_async_copy(
            sq_h.at[pl.ds(off, _CHUNK)], sq_v[b], sqs[b])

    def out_dma(ci, b):
        off = base + ci * _CHUNK
        return pltpu.make_async_copy(
            out_v[b], out_h.at[pl.ds(off, _CHUNK)], sos[b])

    in_phi(0, 0).start()
    in_sq(0, 0).start()
    in_phi(1, 1).start()
    in_sq(1, 1).start()

    def outer(i, carry):
        for b in range(2):
            ci = i * 2 + b
            in_phi(ci, b).wait()
            in_sq(ci, b).wait()

            @pl.when(i > 0)
            def _wait_out():
                out_dma(ci - 2, b).wait()

            pv = phi_v[b]
            qv = sq_v[b]
            ov = out_v[b]

            @plsc.parallel_loop(0, _CHUNK, step=16, unroll=4)
            def vec_body(o):
                p = pv[pl.ds(o, 16)]
                s = qv[pl.ds(o, 16)]
                a = jnp.abs(lax.rem(p, 1.0))
                ax = a * 16.0
                x = jnp.minimum(ax, 16.0 - ax)
                y = jnp.clip((s - ib_min) * yscale, 0.0, 4.0)
                x0 = x.astype(jnp.int32)
                y0 = y.astype(jnp.int32)
                fx = x - x0.astype(jnp.float32)
                fy = y - y0.astype(jnp.float32)
                idx = lax.shift_left(y0, 4) + x0
                g0 = plsc.load_gather(v_t, [idx])
                g1 = plsc.load_gather(gx_t, [idx])
                g2 = plsc.load_gather(gy_t, [idx])
                g3 = plsc.load_gather(gxy_t, [idx])
                ov[pl.ds(o, 16)] = (g0 + fx * g1) + fy * (g2 + fx * g3)

            out_dma(ci, b).start()

            @pl.when(ci + 2 < _N_CHUNKS)
            def _next_in():
                in_phi(ci + 2, b).start()
                in_sq(ci + 2, b).start()
        return carry

    lax.fori_loop(0, _N_CHUNKS // 2, outer, 0)
    out_dma(_N_CHUNKS - 2, 0).wait()
    out_dma(_N_CHUNKS - 1, 1).wait()


def _tc_body(c_ref, pp_ref, phi_ref, sc_ref, o_ref):
    p = phi_ref[...]
    s = sc_ref[...]
    m = p - jnp.floor(p)
    pe = jnp.minimum(m, 1.0 - m)
    x = jnp.minimum(pe * 16.0, 8.0)
    y = jnp.clip((s - pp_ref[0, 0]) * pp_ref[0, 1], 0.0, 4.0)
    xb = [x] + [jnp.maximum(x - float(w), 0.0) for w in range(1, 8)]
    yb = [y] + [jnp.maximum(y - float(h), 0.0) for h in range(1, 4)]
    out = None
    for j in range(5):
        acc = c_ref[j, 0] + c_ref[j, 1] * xb[0]
        for i in range(2, 9):
            acc = acc + c_ref[j, i] * xb[i - 1]
        out = acc if j == 0 else out + yb[j - 1] * acc
    o_ref[...] = out


def kernel(phi, squid_current, g_table, ib_list):
    v, gx, gy, gxy = _cell_tables(g_table)
    coeffs = _basis_coeffs(g_table)
    ib_min = ib_list[0]
    yscale = 4.0 / (ib_list[-1] - ib_list[0])
    ibmin16 = jnp.full((16,), ib_min, jnp.float32)
    ysc16 = jnp.full((16,), yscale, jnp.float32)
    pp = jnp.stack([ib_min, yscale]).reshape(1, 2)

    mesh = plsc.VectorSubcoreMesh(core_axis_name="c", subcore_axis_name="s")
    sc_kern = functools.partial(
        pl.kernel,
        mesh=mesh,
        compiler_params=pltpu.CompilerParams(needs_layout_passes=False),
        out_type=jax.ShapeDtypeStruct((_N_SC,), jnp.float32),
        scratch_types=[
            pltpu.VMEM((128,), jnp.float32),
            pltpu.VMEM((128,), jnp.float32),
            pltpu.VMEM((128,), jnp.float32),
            pltpu.VMEM((128,), jnp.float32),
            pltpu.VMEM((16,), jnp.float32),
            pltpu.VMEM((16,), jnp.float32),
            pltpu.VMEM((_CHUNK,), jnp.float32),
            pltpu.VMEM((_CHUNK,), jnp.float32),
            pltpu.VMEM((_CHUNK,), jnp.float32),
            pltpu.VMEM((_CHUNK,), jnp.float32),
            pltpu.VMEM((_CHUNK,), jnp.float32),
            pltpu.VMEM((_CHUNK,), jnp.float32),
            pltpu.SemaphoreType.DMA,
            pltpu.SemaphoreType.DMA,
            pltpu.SemaphoreType.DMA,
            pltpu.SemaphoreType.DMA,
            pltpu.SemaphoreType.DMA,
            pltpu.SemaphoreType.DMA,
        ],
    )(_sc_body)

    out_sc = sc_kern(v, gx, gy, gxy, ibmin16, ysc16,
                     phi[:_SC_ROWS].reshape(_N_SC),
                     squid_current[:_SC_ROWS].reshape(_N_SC))

    block_rows = 256
    out_tc = pl.pallas_call(
        _tc_body,
        grid=(_TC_ROWS // block_rows,),
        in_specs=[
            pl.BlockSpec(memory_space=pltpu.SMEM),
            pl.BlockSpec(memory_space=pltpu.SMEM),
            pl.BlockSpec((block_rows, _N_COLS), lambda i: (i, 0)),
            pl.BlockSpec((block_rows, _N_COLS), lambda i: (i, 0)),
        ],
        out_specs=pl.BlockSpec((block_rows, _N_COLS), lambda i: (i, 0)),
        out_shape=jax.ShapeDtypeStruct((_TC_ROWS, _N_COLS), jnp.float32),
    )(coeffs, pp, phi[_SC_ROWS:], squid_current[_SC_ROWS:])

    return jnp.concatenate(
        [out_sc.reshape(_SC_ROWS, _N_COLS), out_tc], axis=0)

# --- scband reference (transcript-rebuilt; emitter-appended) ---
"""Pipeline reference for scband-rate-array-source-2645699854846 (READ-ONLY COPY).

The authoritative reference and input builder live on the scoring server;
editing this copy changes nothing except your own understanding.
"""

import jax, jax.numpy as jnp
import numpy as np


def _make_tables():
    ib_list = jnp.array([0.0, 0.25, 0.5, 0.75, 1.0], dtype=jnp.float32)
    i = jnp.arange(5, dtype=jnp.float32)[:, None]
    j = jnp.arange(9, dtype=jnp.float32)[None, :]
    g_array = 0.1 * i + 0.05 * j  # [H=5 (ib axis), W=9 (phi axis)]
    return ib_list, g_array


def setup_inputs(seed: int = 0) -> dict:
    key = jax.random.key(seed)
    k1, k2 = jax.random.split(key)
    phi = jax.random.normal(k1, (16384, 1024), dtype=jnp.float32)
    squid_current = jax.random.uniform(k2, (16384, 1024), dtype=jnp.float32)
    ib_list, g_array = _make_tables()
    return {"phi": phi, "squid_current": squid_current, "g_table": g_array, "ib_list": ib_list}


def reference(phi, squid_current, g_table, ib_list):
    # Faithful port of RateArraySource._interpolate (bilinear grid_sample,
    # align_corners=True; coordinates are in-range so zero-padding never
    # triggers, making the manual bilinear gather exactly equivalent).
    ib_min = ib_list[0]
    ib_max = ib_list[-1]
    phi_mod = jnp.remainder(phi, 1.0)
    phi_eff = jnp.minimum(phi_mod, 1.0 - phi_mod)
    norm_phi = 4.0 * phi_eff - 1.0
    norm_ib = 2.0 * ((squid_current - ib_min) / (ib_max - ib_min)) - 1.0
    H, W = g_table.shape
    x = jnp.clip((norm_phi + 1.0) * 0.5 * (W - 1), 0.0, float(W - 1))
    y = jnp.clip((norm_ib + 1.0) * 0.5 * (H - 1), 0.0, float(H - 1))
    x0 = jnp.floor(x).astype(jnp.int32)
    y0 = jnp.floor(y).astype(jnp.int32)
    x1 = jnp.minimum(x0 + 1, W - 1)
    y1 = jnp.minimum(y0 + 1, H - 1)
    fx = x - x0.astype(jnp.float32)
    fy = y - y0.astype(jnp.float32)
    g00 = g_table[y0, x0]
    g01 = g_table[y0, x1]
    g10 = g_table[y1, x0]
    g11 = g_table[y1, x1]
    out = (g00 * (1.0 - fx) * (1.0 - fy)
           + g01 * fx * (1.0 - fy)
           + g10 * (1.0 - fx) * fy
           + g11 * fx * fy)
    return out

if __name__ == "__main__":
    import jax
    _d = setup_inputs()
    print(jax.jit(kernel)(*tuple(_d.values())))

</pallas_src>

<mosaic_0001>
#map = affine_map<(d0, d1) -> (0)>
module attributes {stable_mosaic.version = 14 : i64} {
  func.func @_sc_body(%arg0: i32, %arg1: i32, %arg2: memref<128xf32, #tpu.memory_space<hbm>>, %arg3: memref<128xf32, #tpu.memory_space<hbm>>, %arg4: memref<128xf32, #tpu.memory_space<hbm>>, %arg5: memref<128xf32, #tpu.memory_space<hbm>>, %arg6: memref<16xf32, #tpu.memory_space<hbm>>, %arg7: memref<16xf32, #tpu.memory_space<hbm>>, %arg8: memref<6291456xf32, #tpu.memory_space<hbm>>, %arg9: memref<6291456xf32, #tpu.memory_space<hbm>>, %arg10: memref<6291456xf32, #tpu.memory_space<hbm>>, %arg11: memref<128xf32, #tpu.memory_space<vmem>>, %arg12: memref<128xf32, #tpu.memory_space<vmem>>, %arg13: memref<128xf32, #tpu.memory_space<vmem>>, %arg14: memref<128xf32, #tpu.memory_space<vmem>>, %arg15: memref<16xf32, #tpu.memory_space<vmem>>, %arg16: memref<16xf32, #tpu.memory_space<vmem>>, %arg17: memref<16384xf32, #tpu.memory_space<vmem>>, %arg18: memref<16384xf32, #tpu.memory_space<vmem>>, %arg19: memref<16384xf32, #tpu.memory_space<vmem>>, %arg20: memref<16384xf32, #tpu.memory_space<vmem>>, %arg21: memref<16384xf32, #tpu.memory_space<vmem>>, %arg22: memref<16384xf32, #tpu.memory_space<vmem>>, %arg23: memref<!tpu.dma_semaphore, #tpu.memory_space<semaphore_mem>>, %arg24: memref<!tpu.dma_semaphore, #tpu.memory_space<semaphore_mem>>, %arg25: memref<!tpu.dma_semaphore, #tpu.memory_space<semaphore_mem>>, %arg26: memref<!tpu.dma_semaphore, #tpu.memory_space<semaphore_mem>>, %arg27: memref<!tpu.dma_semaphore, #tpu.memory_space<semaphore_mem>>, %arg28: memref<!tpu.dma_semaphore, #tpu.memory_space<semaphore_mem>>) attributes {dimension_semantics = [#tpu.dimension_semantics<core_parallel>, #tpu.dimension_semantics<subcore_parallel>], iteration_bounds = array<i64: 2, 16>, scalar_prefetch = 0 : i64, scratch_operands = 18 : i64, tpu.core_type = #tpu.core_type<sc_vector_subcore>, window_params = [{transform_indices = #map}, {transform_indices = #map}, {transform_indices = #map}, {transform_indices = #map}, {transform_indices = #map}, {transform_indices = #map}, {transform_indices = #map}, {transform_indices = #map}, {transform_indices = #map}]} {
    %mul3A = arith.constant 2 : i32
    %mul3A_0 = arith.muli %arg1, %mul3A : i32
    %add3A = arith.addi %mul3A_0, %arg0 : i32
    "tpu.region"() ({
      %run_scoped3A = tpu.sem_alloc : memref<!tpu.dma_semaphore, #tpu.memory_space<semaphore_mem>>
      tpu.enqueue_dma source(%arg2 : memref<128xf32, #tpu.memory_space<hbm>>) target(%arg11 : memref<128xf32, #tpu.memory_space<vmem>>) target_semaphore(%run_scoped3A : memref<!tpu.dma_semaphore, #tpu.memory_space<semaphore_mem>>)
      tpu.wait_dma2 semaphore(%run_scoped3A : memref<!tpu.dma_semaphore, #tpu.memory_space<semaphore_mem>>) src(%arg2 : memref<128xf32, #tpu.memory_space<hbm>>) dst(%arg11 : memref<128xf32, #tpu.memory_space<vmem>>)
      tpu.yield
    }) : () -> ()
    "tpu.region"() ({
      %run_scoped3A = tpu.sem_alloc : memref<!tpu.dma_semaphore, #tpu.memory_space<semaphore_mem>>
      tpu.enqueue_dma source(%arg3 : memref<128xf32, #tpu.memory_space<hbm>>) target(%arg12 : memref<128xf32, #tpu.memory_space<vmem>>) target_semaphore(%run_scoped3A : memref<!tpu.dma_semaphore, #tpu.memory_space<semaphore_mem>>)
      tpu.wait_dma2 semaphore(%run_scoped3A : memref<!tpu.dma_semaphore, #tpu.memory_space<semaphore_mem>>) src(%arg3 : memref<128xf32, #tpu.memory_space<hbm>>) dst(%arg12 : memref<128xf32, #tpu.memory_space<vmem>>)
      tpu.yield
    }) : () -> ()
    "tpu.region"() ({
      %run_scoped3A = tpu.sem_alloc : memref<!tpu.dma_semaphore, #tpu.memory_space<semaphore_mem>>
      tpu.enqueue_dma source(%arg4 : memref<128xf32, #tpu.memory_space<hbm>>) target(%arg13 : memref<128xf32, #tpu.memory_space<vmem>>) target_semaphore(%run_scoped3A : memref<!tpu.dma_semaphore, #tpu.memory_space<semaphore_mem>>)
      tpu.wait_dma2 semaphore(%run_scoped3A : memref<!tpu.dma_semaphore, #tpu.memory_space<semaphore_mem>>) src(%arg4 : memref<128xf32, #tpu.memory_space<hbm>>) dst(%arg13 : memref<128xf32, #tpu.memory_space<vmem>>)
      tpu.yield
    }) : () -> ()
    "tpu.region"() ({
      %run_scoped3A = tpu.sem_alloc : memref<!tpu.dma_semaphore, #tpu.memory_space<semaphore_mem>>
      tpu.enqueue_dma source(%arg5 : memref<128xf32, #tpu.memory_space<hbm>>) target(%arg14 : memref<128xf32, #tpu.memory_space<vmem>>) target_semaphore(%run_scoped3A : memref<!tpu.dma_semaphore, #tpu.memory_space<semaphore_mem>>)
      tpu.wait_dma2 semaphore(%run_scoped3A : memref<!tpu.dma_semaphore, #tpu.memory_space<semaphore_mem>>) src(%arg5 : memref<128xf32, #tpu.memory_space<hbm>>) dst(%arg14 : memref<128xf32, #tpu.memory_space<vmem>>)
      tpu.yield
    }) : () -> ()
    "tpu.region"() ({
      %run_scoped3A = tpu.sem_alloc : memref<!tpu.dma_semaphore, #tpu.memory_space<semaphore_mem>>
      tpu.enqueue_dma source(%arg6 : memref<16xf32, #tpu.memory_space<hbm>>) target(%arg15 : memref<16xf32, #tpu.memory_space<vmem>>) target_semaphore(%run_scoped3A : memref<!tpu.dma_semaphore, #tpu.memory_space<semaphore_mem>>)
      tpu.wait_dma2 semaphore(%run_scoped3A : memref<!tpu.dma_semaphore, #tpu.memory_space<semaphore_mem>>) src(%arg6 : memref<16xf32, #tpu.memory_space<hbm>>) dst(%arg15 : memref<16xf32, #tpu.memory_space<vmem>>)
      tpu.yield
    }) : () -> ()
    "tpu.region"() ({
      %run_scoped3A = tpu.sem_alloc : memref<!tpu.dma_semaphore, #tpu.memory_space<semaphore_mem>>
      tpu.enqueue_dma source(%arg7 : memref<16xf32, #tpu.memory_space<hbm>>) target(%arg16 : memref<16xf32, #tpu.memory_space<vmem>>) target_semaphore(%run_scoped3A : memref<!tpu.dma_semaphore, #tpu.memory_space<semaphore_mem>>)
      tpu.wait_dma2 semaphore(%run_scoped3A : memref<!tpu.dma_semaphore, #tpu.memory_space<semaphore_mem>>) src(%arg7 : memref<16xf32, #tpu.memory_space<hbm>>) dst(%arg16 : memref<16xf32, #tpu.memory_space<vmem>>)
      tpu.yield
    }) : () -> ()
    %get3A = arith.constant 0 : index
    %get3A_1 = tpu.vector_load %arg15[%get3A] {strides = array<i32>} : memref<16xf32, #tpu.memory_space<vmem>>, vector<16xf32>,
    %get3A_2 = arith.constant 0 : index
    %get3A_3 = tpu.vector_load %arg16[%get3A_2] {strides = array<i32>} : memref<16xf32, #tpu.memory_space<vmem>>, vector<16xf32>,
    %mul3A_4 = arith.constant 196608 : i32
    %mul3A_5 = arith.muli %add3A, %mul3A_4 : i32
    %add3A_6 = arith.constant 0 : i32
    %add3A_7 = arith.addi %mul3A_5, %add3A_6 : i32
    %dma_start3A = tpu.memref_slice %arg8[%add3A_7] : memref<6291456xf32, #tpu.memory_space<hbm>> -> memref<16384xf32, #tpu.memory_space<hbm>>
    %dma_start3A_8 = tpu.memref_slice %arg8[%add3A_7] : memref<6291456xf32, #tpu.memory_space<hbm>> -> memref<16384xf32, #tpu.memory_space<hbm>>
    tpu.enqueue_dma source(%dma_start3A_8 : memref<16384xf32, #tpu.memory_space<hbm>>) target(%arg17 : memref<16384xf32, #tpu.memory_space<vmem>>) target_semaphore(%arg23 : memref<!tpu.dma_semaphore, #tpu.memory_space<semaphore_mem>>)
    %add3A_9 = arith.constant 0 : i32
    %add3A_10 = arith.addi %mul3A_5, %add3A_9 : i32
    %dma_start3A_11 = tpu.memref_slice %arg9[%add3A_10] : memref<6291456xf32, #tpu.memory_space<hbm>> -> memref<16384xf32, #tpu.memory_space<hbm>>
    %dma_start3A_12 = tpu.memref_slice %arg9[%add3A_10] : memref<6291456xf32, #tpu.memory_space<hbm>> -> memref<16384xf32, #tpu.memory_space<hbm>>
    tpu.enqueue_dma source(%dma_start3A_12 : memref<16384xf32, #tpu.memory_space<hbm>>) target(%arg19 : memref<16384xf32, #tpu.memory_space<vmem>>) target_semaphore(%arg25 : memref<!tpu.dma_semaphore, #tpu.memory_space<semaphore_mem>>)
    %add3A_13 = arith.constant 16384 : i32
    %add3A_14 = arith.addi %mul3A_5, %add3A_13 : i32
    %dma_start3A_15 = tpu.memref_slice %arg8[%add3A_14] : memref<6291456xf32, #tpu.memory_space<hbm>> -> memref<16384xf32, #tpu.memory_space<hbm>>
    %dma_start3A_16 = tpu.memref_slice %arg8[%add3A_14] : memref<6291456xf32, #tpu.memory_space<hbm>> -> memref<16384xf32, #tpu.memory_space<hbm>>
    tpu.enqueue_dma source(%dma_start3A_16 : memref<16384xf32, #tpu.memory_space<hbm>>) target(%arg18 : memref<16384xf32, #tpu.memory_space<vmem>>) target_semaphore(%arg24 : memref<!tpu.dma_semaphore, #tpu.memory_space<semaphore_mem>>)
    %add3A_17 = arith.constant 16384 : i32
    %add3A_18 = arith.addi %mul3A_5, %add3A_17 : i32
    %dma_start3A_19 = tpu.memref_slice %arg9[%add3A_18] : memref<6291456xf32, #tpu.memory_space<hbm>> -> memref<16384xf32, #tpu.memory_space<hbm>>
    %dma_start3A_20 = tpu.memref_slice %arg9[%add3A_18] : memref<6291456xf32, #tpu.memory_space<hbm>> -> memref<16384xf32, #tpu.memory_space<hbm>>
    tpu.enqueue_dma source(%dma_start3A_20 : memref<16384xf32, #tpu.memory_space<hbm>>) target(%arg20 : memref<16384xf32, #tpu.memory_space<vmem>>) target_semaphore(%arg26 : memref<!tpu.dma_semaphore, #tpu.memory_space<semaphore_mem>>)
    %scan3A = arith.constant 0 : i32
    %scan3A_21 = arith.constant 0 : i32
    %scan3A_22 = arith.constant 6 : i32
    %scan3A_23 = arith.addi %scan3A_21, %scan3A_22 : i32
    %scan3A_24 = arith.constant 1 : i32
    scf.for %scan3A_33 = %scan3A_21 to %scan3A_23 step %scan3A_24  : i32 {
      %mul3A_34 = arith.constant 2 : i32
      %mul3A_35 = arith.muli %scan3A_33, %mul3A_34 : i32
      %add3A_36 = arith.constant 0 : i32
      %add3A_37 = arith.addi %mul3A_35, %add3A_36 : i32
      %mul3A_38 = arith.constant 16384 : i32
      %mul3A_39 = arith.muli %add3A_37, %mul3A_38 : i32
      %add3A_40 = arith.addi %mul3A_5, %mul3A_39 : i32
      %dma_wait3A_41 = tpu.memref_slice %arg8[%add3A_40] : memref<6291456xf32, #tpu.memory_space<hbm>> -> memref<16384xf32, #tpu.memory_space<hbm>>
      %dma_wait3A_42 = tpu.memref_slice %arg8[%add3A_40] : memref<6291456xf32, #tpu.memory_space<hbm>> -> memref<16384xf32, #tpu.memory_space<hbm>>
      tpu.wait_dma2 semaphore(%arg23 : memref<!tpu.dma_semaphore, #tpu.memory_space<semaphore_mem>>) src(%dma_wait3A_42 : memref<16384xf32, #tpu.memory_space<hbm>>) dst(%arg17 : memref<16384xf32, #tpu.memory_space<vmem>>)
      %mul3A_43 = arith.constant 16384 : i32
      %mul3A_44 = arith.muli %add3A_37, %mul3A_43 : i32
      %add3A_45 = arith.addi %mul3A_5, %mul3A_44 : i32
      %dma_wait3A_46 = tpu.memref_slice %arg9[%add3A_45] : memref<6291456xf32, #tpu.memory_space<hbm>> -> memref<16384xf32, #tpu.memory_space<hbm>>
      %dma_wait3A_47 = tpu.memref_slice %arg9[%add3A_45] : memref<6291456xf32, #tpu.memory_space<hbm>> -> memref<16384xf32, #tpu.memory_space<hbm>>
      tpu.wait_dma2 semaphore(%arg25 : memref<!tpu.dma_semaphore, #tpu.memory_space<semaphore_mem>>) src(%dma_wait3A_47 : memref<16384xf32, #tpu.memory_space<hbm>>) dst(%arg19 : memref<16384xf32, #tpu.memory_space<vmem>>)
      %gt3A = arith.constant 0 : i32
      %gt3A_48 = arith.cmpi sgt, %scan3A_33, %gt3A : i32
      %convert_element_type3A = arith.extui %gt3A_48 : i1 to i32
      %cond3A = arith.constant 0 : i32
      %cond3A_49 = arith.cmpi ne, %convert_element_type3A, %cond3A : i32
      scf.if %cond3A_49 {
        %sub3A = arith.constant 2 : i32
        %sub3A_97 = arith.subi %add3A_37, %sub3A : i32
        %mul3A_98 = arith.constant 16384 : i32
        %mul3A_99 = arith.muli %sub3A_97, %mul3A_98 : i32
        %add3A_100 = arith.addi %mul3A_5, %mul3A_99 : i32
        %dma_wait3A_101 = tpu.memref_slice %arg10[%add3A_100] : memref<6291456xf32, #tpu.memory_space<hbm>> -> memref<16384xf32, #tpu.memory_space<hbm>>
        %dma_wait3A_102 = tpu.memref_slice %arg10[%add3A_100] : memref<6291456xf32, #tpu.memory_space<hbm>> -> memref<16384xf32, #tpu.memory_space<hbm>>
        tpu.wait_dma2 semaphore(%arg27 : memref<!tpu.dma_semaphore, #tpu.memory_space<semaphore_mem>>) src(%arg21 : memref<16384xf32, #tpu.memory_space<vmem>>) dst(%dma_wait3A_102 : memref<16384xf32, #tpu.memory_space<hbm>>)
      } else {
      }
      %parallel_loop3A = arith.constant 0 : i32
      %parallel_loop3A_50 = arith.constant 16384 : i32
      %parallel_loop3A_51 = arith.constant 16 : i32
      scf.for %parallel_loop3A_97 = %parallel_loop3A to %parallel_loop3A_50 step %parallel_loop3A_51  : i32 {
        %parallel_loop3A_98 = arith.index_cast %parallel_loop3A_97 : i32 to index
        %parallel_loop3A_99 = tpu.vector_load %arg17[%parallel_loop3A_98] {strides = array<i32>} : memref<16384xf32, #tpu.memory_space<vmem>>, vector<16xf32>,
        %parallel_loop3A_100 = arith.index_cast %parallel_loop3A_97 : i32 to index
        %parallel_loop3A_101 = tpu.vector_load %arg19[%parallel_loop3A_100] {strides = array<i32>} : memref<16384xf32, #tpu.memory_space<vmem>>, vector<16xf32>,
        %parallel_loop3A_102 = arith.constant 1.000000e+00 : f32
        %parallel_loop3A_103 = vector.broadcast %parallel_loop3A_102 : f32 to vector<16xf32>
        %parallel_loop3A_104 = arith.remf %parallel_loop3A_99, %parallel_loop3A_103 : vector<16xf32>
        %parallel_loop3A_105 = math.absf %parallel_loop3A_104 : vector<16xf32>
        %parallel_loop3A_106 = arith.constant 1.600000e+01 : f32
        %parallel_loop3A_107 = vector.broadcast %parallel_loop3A_106 : f32 to vector<16xf32>
        %parallel_loop3A_108 = arith.mulf %parallel_loop3A_105, %parallel_loop3A_107 : vector<16xf32>
        %parallel_loop3A_109 = arith.constant 1.600000e+01 : f32
        %parallel_loop3A_110 = vector.broadcast %parallel_loop3A_109 : f32 to vector<16xf32>
        %parallel_loop3A_111 = arith.subf %parallel_loop3A_110, %parallel_loop3A_108 : vector<16xf32>
        %parallel_loop3A_112 = arith.minimumf %parallel_loop3A_108, %parallel_loop3A_111 : vector<16xf32>
        %parallel_loop3A_113 = arith.subf %parallel_loop3A_101, %get3A_1 : vector<16xf32>
        %parallel_loop3A_114 = arith.mulf %parallel_loop3A_113, %get3A_3 : vector<16xf32>
        %parallel_loop3A_115 = arith.constant 0.000000e+00 : f32
        %parallel_loop3A_116 = arith.constant 4.000000e+00 : f32
        %parallel_loop3A_117 = vector.broadcast %parallel_loop3A_115 : f32 to vector<16xf32>
        %parallel_loop3A_118 = arith.maximumf %parallel_loop3A_117, %parallel_loop3A_114 : vector<16xf32>
        %parallel_loop3A_119 = vector.broadcast %parallel_loop3A_116 : f32 to vector<16xf32>
        %parallel_loop3A_120 = arith.minimumf %parallel_loop3A_119, %parallel_loop3A_118 : vector<16xf32>
        %parallel_loop3A_121 = arith.fptosi %parallel_loop3A_112 : vector<16xf32> to vector<16xi32>
        %parallel_loop3A_122 = arith.fptosi %parallel_loop3A_120 : vector<16xf32> to vector<16xi32>
        %parallel_loop3A_123 = arith.sitofp %parallel_loop3A_121 : vector<16xi32> to vector<16xf32>
        %parallel_loop3A_124 = arith.subf %parallel_loop3A_112, %parallel_loop3A_123 : vector<16xf32>
        %parallel_loop3A_125 = arith.sitofp %parallel_loop3A_122 : vector<16xi32> to vector<16xf32>
        %parallel_loop3A_126 = arith.subf %parallel_loop3A_120, %parallel_loop3A_125 : vector<16xf32>
        %parallel_loop3A_127 = arith.constant 4 : i32
        %parallel_loop3A_128 = vector.broadcast %parallel_loop3A_127 : i32 to vector<16xi32>
        %parallel_loop3A_129 = arith.shli %parallel_loop3A_122, %parallel_loop3A_128 : vector<16xi32>
        %parallel_loop3A_130 = arith.addi %parallel_loop3A_129, %parallel_loop3A_121 : vector<16xi32>
        %parallel_loop3A_131 = tpu.vector_load_idx %arg11[%parallel_loop3A_130] : memref<128xf32, #tpu.memory_space<vmem>>[vector<16xi32>], vector<16xf32>,
        %parallel_loop3A_132 = tpu.vector_load_idx %arg12[%parallel_loop3A_130] : memref<128xf32, #tpu.memory_space<vmem>>[vector<16xi32>], vector<16xf32>,
        %parallel_loop3A_133 = tpu.vector_load_idx %arg13[%parallel_loop3A_130] : memref<128xf32, #tpu.memory_space<vmem>>[vector<16xi32>], vector<16xf32>,
        %parallel_loop3A_134 = tpu.vector_load_idx %arg14[%parallel_loop3A_130] : memref<128xf32, #tpu.memory_space<vmem>>[vector<16xi32>], vector<16xf32>,
        %parallel_loop3A_135 = arith.mulf %parallel_loop3A_124, %parallel_loop3A_132 : vector<16xf32>
        %parallel_loop3A_136 = arith.addf %parallel_loop3A_131, %parallel_loop3A_135 : vector<16xf32>
        %parallel_loop3A_137 = arith.mulf %parallel_loop3A_124, %parallel_loop3A_134 : vector<16xf32>
        %parallel_loop3A_138 = arith.addf %parallel_loop3A_133, %parallel_loop3A_137 : vector<16xf32>
        %parallel_loop3A_139 = arith.mulf %parallel_loop3A_126, %parallel_loop3A_138 : vector<16xf32>
        %parallel_loop3A_140 = arith.addf %parallel_loop3A_136, %parallel_loop3A_139 : vector<16xf32>
        %parallel_loop3A_141 = arith.index_cast %parallel_loop3A_97 : i32 to index
        %parallel_loop3A_142 = tpu.vector_load %arg21[%parallel_loop3A_141] {strides = array<i32>} : memref<16384xf32, #tpu.memory_space<vmem>>, vector<16xf32>,
        tpu.vector_store %arg21[%parallel_loop3A_141], %parallel_loop3A_140 {strides = array<i32>} : memref<16384xf32, #tpu.memory_space<vmem>>, vector<16xf32>,
      } {sc.loop_unroll_factor = 4 : i64, sc.parallel_access}
      %mul3A_52 = arith.constant 16384 : i32
      %mul3A_53 = arith.muli %add3A_37, %mul3A_52 : i32
      %add3A_54 = arith.addi %mul3A_5, %mul3A_53 : i32
      %dma_start3A_55 = tpu.memref_slice %arg10[%add3A_54] : memref<6291456xf32, #tpu.memory_space<hbm>> -> memref<16384xf32, #tpu.memory_space<hbm>>
      %dma_start3A_56 = tpu.memref_slice %arg10[%add3A_54] : memref<6291456xf32, #tpu.memory_space<hbm>> -> memref<16384xf32, #tpu.memory_space<hbm>>
      tpu.enqueue_dma source(%arg21 : memref<16384xf32, #tpu.memory_space<vmem>>) target(%dma_start3A_56 : memref<16384xf32, #tpu.memory_space<hbm>>) target_semaphore(%arg27 : memref<!tpu.dma_semaphore, #tpu.memory_space<semaphore_mem>>)
      %add3A_57 = arith.constant 2 : i32
      %add3A_58 = arith.addi %add3A_37, %add3A_57 : i32
      %lt3A = arith.constant 12 : i32
      %lt3A_59 = arith.cmpi slt, %add3A_58, %lt3A : i32
      %convert_element_type3A_60 = arith.extui %lt3A_59 : i1 to i32
      %cond3A_61 = arith.constant 0 : i32
      %cond3A_62 = arith.cmpi ne, %convert_element_type3A_60, %cond3A_61 : i32
      scf.if %cond3A_62 {
        %add3A_97 = arith.constant 2 : i32
        %add3A_98 = arith.addi %add3A_37, %add3A_97 : i32
        %mul3A_99 = arith.constant 16384 : i32
        %mul3A_100 = arith.muli %add3A_98, %mul3A_99 : i32
        %add3A_101 = arith.addi %mul3A_5, %mul3A_100 : i32
        %dma_start3A_102 = tpu.memref_slice %arg8[%add3A_101] : memref<6291456xf32, #tpu.memory_space<hbm>> -> memref<16384xf32, #tpu.memory_space<hbm>>
        %dma_start3A_103 = tpu.memref_slice %arg8[%add3A_101] : memref<6291456xf32, #tpu.memory_space<hbm>> -> memref<16384xf32, #tpu.memory_space<hbm>>
        tpu.enqueue_dma source(%dma_start3A_103 : memref<16384xf32, #tpu.memory_space<hbm>>) target(%arg17 : memref<16384xf32, #tpu.memory_space<vmem>>) target_semaphore(%arg23 : memref<!tpu.dma_semaphore, #tpu.memory_space<semaphore_mem>>)
        %add3A_104 = arith.constant 2 : i32
        %add3A_105 = arith.addi %add3A_37, %add3A_104 : i32
        %mul3A_106 = arith.constant 16384 : i32
        %mul3A_107 = arith.muli %add3A_105, %mul3A_106 : i32
        %add3A_108 = arith.addi %mul3A_5, %mul3A_107 : i32
        %dma_start3A_109 = tpu.memref_slice %arg9[%add3A_108] : memref<6291456xf32, #tpu.memory_space<hbm>> -> memref<16384xf32, #tpu.memory_space<hbm>>
        %dma_start3A_110 = tpu.memref_slice %arg9[%add3A_108] : memref<6291456xf32, #tpu.memory_space<hbm>> -> memref<16384xf32, #tpu.memory_space<hbm>>
        tpu.enqueue_dma source(%dma_start3A_110 : memref<16384xf32, #tpu.memory_space<hbm>>) target(%arg19 : memref<16384xf32, #tpu.memory_space<vmem>>) target_semaphore(%arg25 : memref<!tpu.dma_semaphore, #tpu.memory_space<semaphore_mem>>)
      } else {
      }
      %mul3A_63 = arith.constant 2 : i32
      %mul3A_64 = arith.muli %scan3A_33, %mul3A_63 : i32
      %add3A_65 = arith.constant 1 : i32
      %add3A_66 = arith.addi %mul3A_64, %add3A_65 : i32
      %mul3A_67 = arith.constant 16384 : i32
      %mul3A_68 = arith.muli %add3A_66, %mul3A_67 : i32
      %add3A_69 = arith.addi %mul3A_5, %mul3A_68 : i32
      %dma_wait3A_70 = tpu.memref_slice %arg8[%add3A_69] : memref<6291456xf32, #tpu.memory_space<hbm>> -> memref<16384xf32, #tpu.memory_space<hbm>>
      %dma_wait3A_71 = tpu.memref_slice %arg8[%add3A_69] : memref<6291456xf32, #tpu.memory_space<hbm>> -> memref<16384xf32, #tpu.memory_space<hbm>>
      tpu.wait_dma2 semaphore(%arg24 : memref<!tpu.dma_semaphore, #tpu.memory_space<semaphore_mem>>) src(%dma_wait3A_71 : memref<16384xf32, #tpu.memory_space<hbm>>) dst(%arg18 : memref<16384xf32, #tpu.memory_space<vmem>>)
      %mul3A_72 = arith.constant 16384 : i32
      %mul3A_73 = arith.muli %add3A_66, %mul3A_72 : i32
      %add3A_74 = arith.addi %mul3A_5, %mul3A_73 : i32
      %dma_wait3A_75 = tpu.memref_slice %arg9[%add3A_74] : memref<6291456xf32, #tpu.memory_space<hbm>> -> memref<16384xf32, #tpu.memory_space<hbm>>
      %dma_wait3A_76 = tpu.memref_slice %arg9[%add3A_74] : memref<6291456xf32, #tpu.memory_space<hbm>> -> memref<16384xf32, #tpu.memory_space<hbm>>
      tpu.wait_dma2 semaphore(%arg26 : memref<!tpu.dma_semaphore, #tpu.memory_space<semaphore_mem>>) src(%dma_wait3A_76 : memref<16384xf32, #tpu.memory_space<hbm>>) dst(%arg20 : memref<16384xf32, #tpu.memory_space<vmem>>)
      %gt3A_77 = arith.constant 0 : i32
      %gt3A_78 = arith.cmpi sgt, %scan3A_33, %gt3A_77 : i32
      %convert_element_type3A_79 = arith.extui %gt3A_78 : i1 to i32
      %cond3A_80 = arith.constant 0 : i32
      %cond3A_81 = arith.cmpi ne, %convert_element_type3A_79, %cond3A_80 : i32
      scf.if %cond3A_81 {
        %sub3A = arith.constant 2 : i32
        %sub3A_97 = arith.subi %add3A_66, %sub3A : i32
        %mul3A_98 = arith.constant 16384 : i32
        %mul3A_99 = arith.muli %sub3A_97, %mul3A_98 : i32
        %add3A_100 = arith.addi %mul3A_5, %mul3A_99 : i32
        %dma_wait3A_101 = tpu.memref_slice %arg10[%add3A_100] : memref<6291456xf32, #tpu.memory_space<hbm>> -> memref<16384xf32, #tpu.memory_space<hbm>>
        %dma_wait3A_102 = tpu.memref_slice %arg10[%add3A_100] : memref<6291456xf32, #tpu.memory_space<hbm>> -> memref<16384xf32, #tpu.memory_space<hbm>>
        tpu.wait_dma2 semaphore(%arg28 : memref<!tpu.dma_semaphore, #tpu.memory_space<semaphore_mem>>) src(%arg22 : memref<16384xf32, #tpu.memory_space<vmem>>) dst(%dma_wait3A_102 : memref<16384xf32, #tpu.memory_space<hbm>>)
      } else {
      }
      %parallel_loop3A_82 = arith.constant 0 : i32
      %parallel_loop3A_83 = arith.constant 16384 : i32
      %parallel_loop3A_84 = arith.constant 16 : i32
      scf.for %parallel_loop3A_97 = %parallel_loop3A_82 to %parallel_loop3A_83 step %parallel_loop3A_84  : i32 {
        %parallel_loop3A_98 = arith.index_cast %parallel_loop3A_97 : i32 to index
        %parallel_loop3A_99 = tpu.vector_load %arg18[%parallel_loop3A_98] {strides = array<i32>} : memref<16384xf32, #tpu.memory_space<vmem>>, vector<16xf32>,
        %parallel_loop3A_100 = arith.index_cast %parallel_loop3A_97 : i32 to index
        %parallel_loop3A_101 = tpu.vector_load %arg20[%parallel_loop3A_100] {strides = array<i32>} : memref<16384xf32, #tpu.memory_space<vmem>>, vector<16xf32>,
        %parallel_loop3A_102 = arith.constant 1.000000e+00 : f32
        %parallel_loop3A_103 = vector.broadcast %parallel_loop3A_102 : f32 to vector<16xf32>
        %parallel_loop3A_104 = arith.remf %parallel_loop3A_99, %parallel_loop3A_103 : vector<16xf32>
        %parallel_loop3A_105 = math.absf %parallel_loop3A_104 : vector<16xf32>
        %parallel_loop3A_106 = arith.constant 1.600000e+01 : f32
        %parallel_loop3A_107 = vector.broadcast %parallel_loop3A_106 : f32 to vector<16xf32>
        %parallel_loop3A_108 = arith.mulf %parallel_loop3A_105, %parallel_loop3A_107 : vector<16xf32>
        %parallel_loop3A_109 = arith.constant 1.600000e+01 : f32
        %parallel_loop3A_110 = vector.broadcast %parallel_loop3A_109 : f32 to vector<16xf32>
        %parallel_loop3A_111 = arith.subf %parallel_loop3A_110, %parallel_loop3A_108 : vector<16xf32>
        %parallel_loop3A_112 = arith.minimumf %parallel_loop3A_108, %parallel_loop3A_111 : vector<16xf32>
        %parallel_loop3A_113 = arith.subf %parallel_loop3A_101, %get3A_1 : vector<16xf32>
        %parallel_loop3A_114 = arith.mulf %parallel_loop3A_113, %get3A_3 : vector<16xf32>
        %parallel_loop3A_115 = arith.constant 0.000000e+00 : f32
        %parallel_loop3A_116 = arith.constant 4.000000e+00 : f32
        %parallel_loop3A_117 = vector.broadcast %parallel_loop3A_115 : f32 to vector<16xf32>
        %parallel_loop3A_118 = arith.maximumf %parallel_loop3A_117, %parallel_loop3A_114 : vector<16xf32>
        %parallel_loop3A_119 = vector.broadcast %parallel_loop3A_116 : f32 to vector<16xf32>
        %parallel_loop3A_120 = arith.minimumf %parallel_loop3A_119, %parallel_loop3A_118 : vector<16xf32>
        %parallel_loop3A_121 = arith.fptosi %parallel_loop3A_112 : vector<16xf32> to vector<16xi32>
        %parallel_loop3A_122 = arith.fptosi %parallel_loop3A_120 : vector<16xf32> to vector<16xi32>
        %parallel_loop3A_123 = arith.sitofp %parallel_loop3A_121 : vector<16xi32> to vector<16xf32>
        %parallel_loop3A_124 = arith.subf %parallel_loop3A_112, %parallel_loop3A_123 : vector<16xf32>
        %parallel_loop3A_125 = arith.sitofp %parallel_loop3A_122 : vector<16xi32> to vector<16xf32>
        %parallel_loop3A_126 = arith.subf %parallel_loop3A_120, %parallel_loop3A_125 : vector<16xf32>
        %parallel_loop3A_127 = arith.constant 4 : i32
        %parallel_loop3A_128 = vector.broadcast %parallel_loop3A_127 : i32 to vector<16xi32>
        %parallel_loop3A_129 = arith.shli %parallel_loop3A_122, %parallel_loop3A_128 : vector<16xi32>
        %parallel_loop3A_130 = arith.addi %parallel_loop3A_129, %parallel_loop3A_121 : vector<16xi32>
        %parallel_loop3A_131 = tpu.vector_load_idx %arg11[%parallel_loop3A_130] : memref<128xf32, #tpu.memory_space<vmem>>[vector<16xi32>], vector<16xf32>,
        %parallel_loop3A_132 = tpu.vector_load_idx %arg12[%parallel_loop3A_130] : memref<128xf32, #tpu.memory_space<vmem>>[vector<16xi32>], vector<16xf32>,
        %parallel_loop3A_133 = tpu.vector_load_idx %arg13[%parallel_loop3A_130] : memref<128xf32, #tpu.memory_space<vmem>>[vector<16xi32>], vector<16xf32>,
        %parallel_loop3A_134 = tpu.vector_load_idx %arg14[%parallel_loop3A_130] : memref<128xf32, #tpu.memory_space<vmem>>[vector<16xi32>], vector<16xf32>,
        %parallel_loop3A_135 = arith.mulf %parallel_loop3A_124, %parallel_loop3A_132 : vector<16xf32>
        %parallel_loop3A_136 = arith.addf %parallel_loop3A_131, %parallel_loop3A_135 : vector<16xf32>
        %parallel_loop3A_137 = arith.mulf %parallel_loop3A_124, %parallel_loop3A_134 : vector<16xf32>
        %parallel_loop3A_138 = arith.addf %parallel_loop3A_133, %parallel_loop3A_137 : vector<16xf32>
        %parallel_loop3A_139 = arith.mulf %parallel_loop3A_126, %parallel_loop3A_138 : vector<16xf32>
        %parallel_loop3A_140 = arith.addf %parallel_loop3A_136, %parallel_loop3A_139 : vector<16xf32>
        %parallel_loop3A_141 = arith.index_cast %parallel_loop3A_97 : i32 to index
        %parallel_loop3A_142 = tpu.vector_load %arg22[%parallel_loop3A_141] {strides = array<i32>} : memref<16384xf32, #tpu.memory_space<vmem>>, vector<16xf32>,
        tpu.vector_store %arg22[%parallel_loop3A_141], %parallel_loop3A_140 {strides = array<i32>} : memref<16384xf32, #tpu.memory_space<vmem>>, vector<16xf32>,
      } {sc.loop_unroll_factor = 4 : i64, sc.parallel_access}
      %mul3A_85 = arith.constant 16384 : i32
      %mul3A_86 = arith.muli %add3A_66, %mul3A_85 : i32
      %add3A_87 = arith.addi %mul3A_5, %mul3A_86 : i32
      %dma_start3A_88 = tpu.memref_slice %arg10[%add3A_87] : memref<6291456xf32, #tpu.memory_space<hbm>> -> memref<16384xf32, #tpu.memory_space<hbm>>
      %dma_start3A_89 = tpu.memref_slice %arg10[%add3A_87] : memref<6291456xf32, #tpu.memory_space<hbm>> -> memref<16384xf32, #tpu.memory_space<hbm>>
      tpu.enqueue_dma source(%arg22 : memref<16384xf32, #tpu.memory_space<vmem>>) target(%dma_start3A_89 : memref<16384xf32, #tpu.memory_space<hbm>>) target_semaphore(%arg28 : memref<!tpu.dma_semaphore, #tpu.memory_space<semaphore_mem>>)
      %add3A_90 = arith.constant 2 : i32
      %add3A_91 = arith.addi %add3A_66, %add3A_90 : i32
      %lt3A_92 = arith.constant 12 : i32
      %lt3A_93 = arith.cmpi slt, %add3A_91, %lt3A_92 : i32
      %convert_element_type3A_94 = arith.extui %lt3A_93 : i1 to i32
      %cond3A_95 = arith.constant 0 : i32
      %cond3A_96 = arith.cmpi ne, %convert_element_type3A_94, %cond3A_95 : i32
      scf.if %cond3A_96 {
        %add3A_97 = arith.constant 2 : i32
        %add3A_98 = arith.addi %add3A_66, %add3A_97 : i32
        %mul3A_99 = arith.constant 16384 : i32
        %mul3A_100 = arith.muli %add3A_98, %mul3A_99 : i32
        %add3A_101 = arith.addi %mul3A_5, %mul3A_100 : i32
        %dma_start3A_102 = tpu.memref_slice %arg8[%add3A_101] : memref<6291456xf32, #tpu.memory_space<hbm>> -> memref<16384xf32, #tpu.memory_space<hbm>>
        %dma_start3A_103 = tpu.memref_slice %arg8[%add3A_101] : memref<6291456xf32, #tpu.memory_space<hbm>> -> memref<16384xf32, #tpu.memory_space<hbm>>
        tpu.enqueue_dma source(%dma_start3A_103 : memref<16384xf32, #tpu.memory_space<hbm>>) target(%arg18 : memref<16384xf32, #tpu.memory_space<vmem>>) target_semaphore(%arg24 : memref<!tpu.dma_semaphore, #tpu.memory_space<semaphore_mem>>)
        %add3A_104 = arith.constant 2 : i32
        %add3A_105 = arith.addi %add3A_66, %add3A_104 : i32
        %mul3A_106 = arith.constant 16384 : i32
        %mul3A_107 = arith.muli %add3A_105, %mul3A_106 : i32
        %add3A_108 = arith.addi %mul3A_5, %mul3A_107 : i32
        %dma_start3A_109 = tpu.memref_slice %arg9[%add3A_108] : memref<6291456xf32, #tpu.memory_space<hbm>> -> memref<16384xf32, #tpu.memory_space<hbm>>
        %dma_start3A_110 = tpu.memref_slice %arg9[%add3A_108] : memref<6291456xf32, #tpu.memory_space<hbm>> -> memref<16384xf32, #tpu.memory_space<hbm>>
        tpu.enqueue_dma source(%dma_start3A_110 : memref<16384xf32, #tpu.memory_space<hbm>>) target(%arg20 : memref<16384xf32, #tpu.memory_space<vmem>>) target_semaphore(%arg26 : memref<!tpu.dma_semaphore, #tpu.memory_space<semaphore_mem>>)
      } else {
      }
    }
    %scan3A_25 = arith.constant 6 : i32
    %add3A_26 = arith.constant 163840 : i32
    %add3A_27 = arith.addi %mul3A_5, %add3A_26 : i32
    %dma_wait3A = tpu.memref_slice %arg10[%add3A_27] : memref<6291456xf32, #tpu.memory_space<hbm>> -> memref<16384xf32, #tpu.memory_space<hbm>>
    %dma_wait3A_28 = tpu.memref_slice %arg10[%add3A_27] : memref<6291456xf32, #tpu.memory_space<hbm>> -> memref<16384xf32, #tpu.memory_space<hbm>>
    tpu.wait_dma2 semaphore(%arg27 : memref<!tpu.dma_semaphore, #tpu.memory_space<semaphore_mem>>) src(%arg21 : memref<16384xf32, #tpu.memory_space<vmem>>) dst(%dma_wait3A_28 : memref<16384xf32, #tpu.memory_space<hbm>>)
    %add3A_29 = arith.constant 180224 : i32
    %add3A_30 = arith.addi %mul3A_5, %add3A_29 : i32
    %dma_wait3A_31 = tpu.memref_slice %arg10[%add3A_30] : memref<6291456xf32, #tpu.memory_space<hbm>> -> memref<16384xf32, #tpu.memory_space<hbm>>
    %dma_wait3A_32 = tpu.memref_slice %arg10[%add3A_30] : memref<6291456xf32, #tpu.memory_space<hbm>> -> memref<16384xf32, #tpu.memory_space<hbm>>
    tpu.wait_dma2 semaphore(%arg28 : memref<!tpu.dma_semaphore, #tpu.memory_space<semaphore_mem>>) src(%arg22 : memref<16384xf32, #tpu.memory_space<vmem>>) dst(%dma_wait3A_32 : memref<16384xf32, #tpu.memory_space<hbm>>)
    return
  }
}

module attributes {stable_mosaic.version = 14 : i64} {
  func.func @_tc_body(%arg0: i32, %arg1: memref<5x9xf32, #tpu.memory_space<smem>>, %arg2: memref<1x2xf32, #tpu.memory_space<smem>>, %arg3: memref<256x1024xf32, #tpu.memory_space<vmem>>, %arg4: memref<256x1024xf32, #tpu.memory_space<vmem>>, %arg5: memref<256x1024xf32, #tpu.memory_space<vmem>>) attributes {dimension_semantics = [#tpu.dimension_semantics<arbitrary>], iteration_bounds = array<i64: 40>, scalar_prefetch = 0 : i64, scratch_operands = 0 : i64, tpu.core_type = #tpu.core_type<tc>, window_params = [{transform_indices = @transform_0, window_bounds = array<i64: 5, 9>}, {transform_indices = @transform_1, window_bounds = array<i64: 1, 2>}, {transform_indices = @transform_2, window_bounds = array<i64: 256, 1024>}, {transform_indices = @transform_3, window_bounds = array<i64: 256, 1024>}, {transform_indices = @transform_4, window_bounds = array<i64: 256, 1024>}]} {
    %get3A = arith.constant 0 : index
    %get3A_0 = arith.constant 0 : index
    %get3A_1 = vector.load %arg3[%get3A, %get3A_0] : memref<256x1024xf32, #tpu.memory_space<vmem>>, vector<256x1024xf32>
    %get3A_2 = arith.constant 0 : index
    %get3A_3 = arith.constant 0 : index
    %get3A_4 = vector.load %arg4[%get3A_2, %get3A_3] : memref<256x1024xf32, #tpu.memory_space<vmem>>, vector<256x1024xf32>
    %floor3A = math.floor %get3A_1 : vector<256x1024xf32>
    %sub3A = arith.subf %get3A_1, %floor3A : vector<256x1024xf32>
    %sub3A_5 = arith.constant 1.000000e+00 : f32
    %sub3A_6 = vector.broadcast %sub3A_5 : f32 to vector<256x1024xf32>
    %sub3A_7 = arith.subf %sub3A_6, %sub3A : vector<256x1024xf32>
    %min3A = arith.minimumf %sub3A, %sub3A_7 : vector<256x1024xf32>
    %mul3A = arith.constant 1.600000e+01 : f32
    %mul3A_8 = vector.broadcast %mul3A : f32 to vector<256x1024xf32>
    %mul3A_9 = arith.mulf %min3A, %mul3A_8 : vector<256x1024xf32>
    %min3A_10 = arith.constant 8.000000e+00 : f32
    %min3A_11 = vector.broadcast %min3A_10 : f32 to vector<256x1024xf32>
    %min3A_12 = arith.minimumf %mul3A_9, %min3A_11 : vector<256x1024xf32>
    %get3A_13 = arith.constant 0 : index
    %get3A_14 = arith.constant 0 : index
    %get3A_15 = memref.load %arg2[%get3A_13, %get3A_14] : memref<1x2xf32, #tpu.memory_space<smem>>
    %sub3A_16 = vector.broadcast %get3A_15 : f32 to vector<256x1024xf32>
    %sub3A_17 = arith.subf %get3A_4, %sub3A_16 : vector<256x1024xf32>
    %get3A_18 = arith.constant 0 : index
    %get3A_19 = arith.constant 1 : index
    %get3A_20 = memref.load %arg2[%get3A_18, %get3A_19] : memref<1x2xf32, #tpu.memory_space<smem>>
    %mul3A_21 = vector.broadcast %get3A_20 : f32 to vector<256x1024xf32>
    %mul3A_22 = arith.mulf %sub3A_17, %mul3A_21 : vector<256x1024xf32>
    %jit3A = arith.constant 0.000000e+00 : f32
    %jit3A_23 = arith.constant 4.000000e+00 : f32
    %max3A = vector.broadcast %jit3A : f32 to vector<256x1024xf32>
    %max3A_24 = arith.maximumf %max3A, %mul3A_22 : vector<256x1024xf32>
    %min3A_25 = vector.broadcast %jit3A_23 : f32 to vector<256x1024xf32>
    %min3A_26 = arith.minimumf %min3A_25, %max3A_24 : vector<256x1024xf32>
    %sub3A_27 = arith.constant 1.000000e+00 : f32
    %sub3A_28 = vector.broadcast %sub3A_27 : f32 to vector<256x1024xf32>
    %sub3A_29 = arith.subf %min3A_12, %sub3A_28 : vector<256x1024xf32>
    %max3A_30 = arith.constant 0.000000e+00 : f32
    %max3A_31 = vector.broadcast %max3A_30 : f32 to vector<256x1024xf32>
    %max3A_32 = arith.maximumf %sub3A_29, %max3A_31 : vector<256x1024xf32>
    %sub3A_33 = arith.constant 2.000000e+00 : f32
    %sub3A_34 = vector.broadcast %sub3A_33 : f32 to vector<256x1024xf32>
    %sub3A_35 = arith.subf %min3A_12, %sub3A_34 : vector<256x1024xf32>
    %max3A_36 = arith.constant 0.000000e+00 : f32
    %max3A_37 = vector.broadcast %max3A_36 : f32 to vector<256x1024xf32>
    %max3A_38 = arith.maximumf %sub3A_35, %max3A_37 : vector<256x1024xf32>
    %sub3A_39 = arith.constant 3.000000e+00 : f32
    %sub3A_40 = vector.broadcast %sub3A_39 : f32 to vector<256x1024xf32>
    %sub3A_41 = arith.subf %min3A_12, %sub3A_40 : vector<256x1024xf32>
    %max3A_42 = arith.constant 0.000000e+00 : f32
    %max3A_43 = vector.broadcast %max3A_42 : f32 to vector<256x1024xf32>
    %max3A_44 = arith.maximumf %sub3A_41, %max3A_43 : vector<256x1024xf32>
    %sub3A_45 = arith.constant 4.000000e+00 : f32
    %sub3A_46 = vector.broadcast %sub3A_45 : f32 to vector<256x1024xf32>
    %sub3A_47 = arith.subf %min3A_12, %sub3A_46 : vector<256x1024xf32>
    %max3A_48 = arith.constant 0.000000e+00 : f32
    %max3A_49 = vector.broadcast %max3A_48 : f32 to vector<256x1024xf32>
    %max3A_50 = arith.maximumf %sub3A_47, %max3A_49 : vector<256x1024xf32>
    %sub3A_51 = arith.constant 5.000000e+00 : f32
    %sub3A_52 = vector.broadcast %sub3A_51 : f32 to vector<256x1024xf32>
    %sub3A_53 = arith.subf %min3A_12, %sub3A_52 : vector<256x1024xf32>
    %max3A_54 = arith.constant 0.000000e+00 : f32
    %max3A_55 = vector.broadcast %max3A_54 : f32 to vector<256x1024xf32>
    %max3A_56 = arith.maximumf %sub3A_53, %max3A_55 : vector<256x1024xf32>
    %sub3A_57 = arith.constant 6.000000e+00 : f32
    %sub3A_58 = vector.broadcast %sub3A_57 : f32 to vector<256x1024xf32>
    %sub3A_59 = arith.subf %min3A_12, %sub3A_58 : vector<256x1024xf32>
    %max3A_60 = arith.constant 0.000000e+00 : f32
    %max3A_61 = vector.broadcast %max3A_60 : f32 to vector<256x1024xf32>
    %max3A_62 = arith.maximumf %sub3A_59, %max3A_61 : vector<256x1024xf32>
    %sub3A_63 = arith.constant 7.000000e+00 : f32
    %sub3A_64 = vector.broadcast %sub3A_63 : f32 to vector<256x1024xf32>
    %sub3A_65 = arith.subf %min3A_12, %sub3A_64 : vector<256x1024xf32>
    %max3A_66 = arith.constant 0.000000e+00 : f32
    %max3A_67 = vector.broadcast %max3A_66 : f32 to vector<256x1024xf32>
    %max3A_68 = arith.maximumf %sub3A_65, %max3A_67 : vector<256x1024xf32>
    %sub3A_69 = arith.constant 1.000000e+00 : f32
    %sub3A_70 = vector.broadcast %sub3A_69 : f32 to vector<256x1024xf32>
    %sub3A_71 = arith.subf %min3A_26, %sub3A_70 : vector<256x1024xf32>
    %max3A_72 = arith.constant 0.000000e+00 : f32
    %max3A_73 = vector.broadcast %max3A_72 : f32 to vector<256x1024xf32>
    %max3A_74 = arith.maximumf %sub3A_71, %max3A_73 : vector<256x1024xf32>
    %sub3A_75 = arith.constant 2.000000e+00 : f32
    %sub3A_76 = vector.broadcast %sub3A_75 : f32 to vector<256x1024xf32>
    %sub3A_77 = arith.subf %min3A_26, %sub3A_76 : vector<256x1024xf32>
    %max3A_78 = arith.constant 0.000000e+00 : f32
    %max3A_79 = vector.broadcast %max3A_78 : f32 to vector<256x1024xf32>
    %max3A_80 = arith.maximumf %sub3A_77, %max3A_79 : vector<256x1024xf32>
    %sub3A_81 = arith.constant 3.000000e+00 : f32
    %sub3A_82 = vector.broadcast %sub3A_81 : f32 to vector<256x1024xf32>
    %sub3A_83 = arith.subf %min3A_26, %sub3A_82 : vector<256x1024xf32>
    %max3A_84 = arith.constant 0.000000e+00 : f32
    %max3A_85 = vector.broadcast %max3A_84 : f32 to vector<256x1024xf32>
    %max3A_86 = arith.maximumf %sub3A_83, %max3A_85 : vector<256x1024xf32>
    %get3A_87 = arith.constant 0 : index
    %get3A_88 = arith.constant 0 : index
    %get3A_89 = memref.load %arg1[%get3A_87, %get3A_88] : memref<5x9xf32, #tpu.memory_space<smem>>
    %get3A_90 = arith.constant 0 : index
    %get3A_91 = arith.constant 1 : index
    %get3A_92 = memref.load %arg1[%get3A_90, %get3A_91] : memref<5x9xf32, #tpu.memory_space<smem>>
    %mul3A_93 = vector.broadcast %get3A_92 : f32 to vector<256x1024xf32>
    %mul3A_94 = arith.mulf %mul3A_93, %min3A_12 : vector<256x1024xf32>
    %add3A = vector.broadcast %get3A_89 : f32 to vector<256x1024xf32>
    %add3A_95 = arith.addf %add3A, %mul3A_94 : vector<256x1024xf32>
    %get3A_96 = arith.constant 0 : index
    %get3A_97 = arith.constant 2 : index
    %get3A_98 = memref.load %arg1[%get3A_96, %get3A_97] : memref<5x9xf32, #tpu.memory_space<smem>>
    %mul3A_99 = vector.broadcast %get3A_98 : f32 to vector<256x1024xf32>
    %mul3A_100 = arith.mulf %mul3A_99, %max3A_32 : vector<256x1024xf32>
    %add3A_101 = arith.addf %add3A_95, %mul3A_100 : vector<256x1024xf32>
    %get3A_102 = arith.constant 0 : index
    %get3A_103 = arith.constant 3 : index
    %get3A_104 = memref.load %arg1[%get3A_102, %get3A_103] : memref<5x9xf32, #tpu.memory_space<smem>>
    %mul3A_105 = vector.broadcast %get3A_104 : f32 to vector<256x1024xf32>
    %mul3A_106 = arith.mulf %mul3A_105, %max3A_38 : vector<256x1024xf32>
    %add3A_107 = arith.addf %add3A_101, %mul3A_106 : vector<256x1024xf32>
    %get3A_108 = arith.constant 0 : index
    %get3A_109 = arith.constant 4 : index
    %get3A_110 = memref.load %arg1[%get3A_108, %get3A_109] : memref<5x9xf32, #tpu.memory_space<smem>>
    %mul3A_111 = vector.broadcast %get3A_110 : f32 to vector<256x1024xf32>
    %mul3A_112 = arith.mulf %mul3A_111, %max3A_44 : vector<256x1024xf32>
    %add3A_113 = arith.addf %add3A_107, %mul3A_112 : vector<256x1024xf32>
    %get3A_114 = arith.constant 0 : index
    %get3A_115 = arith.constant 5 : index
    %get3A_116 = memref.load %arg1[%get3A_114, %get3A_115] : memref<5x9xf32, #tpu.memory_space<smem>>
    %mul3A_117 = vector.broadcast %get3A_116 : f32 to vector<256x1024xf32>
    %mul3A_118 = arith.mulf %mul3A_117, %max3A_50 : vector<256x1024xf32>
    %add3A_119 = arith.addf %add3A_113, %mul3A_118 : vector<256x1024xf32>
    %get3A_120 = arith.constant 0 : index
    %get3A_121 = arith.constant 6 : index
    %get3A_122 = memref.load %arg1[%get3A_120, %get3A_121] : memref<5x9xf32, #tpu.memory_space<smem>>
    %mul3A_123 = vector.broadcast %get3A_122 : f32 to vector<256x1024xf32>
    %mul3A_124 = arith.mulf %mul3A_123, %max3A_56 : vector<256x1024xf32>
    %add3A_125 = arith.addf %add3A_119, %mul3A_124 : vector<256x1024xf32>
    %get3A_126 = arith.constant 0 : index
    %get3A_127 = arith.constant 7 : index
    %get3A_128 = memref.load %arg1[%get3A_126, %get3A_127] : memref<5x9xf32, #tpu.memory_space<smem>>
    %mul3A_129 = vector.broadcast %get3A_128 : f32 to vector<256x1024xf32>
    %mul3A_130 = arith.mulf %mul3A_129, %max3A_62 : vector<256x1024xf32>
    %add3A_131 = arith.addf %add3A_125, %mul3A_130 : vector<256x1024xf32>
    %get3A_132 = arith.constant 0 : index
    %get3A_133 = arith.constant 8 : index
    %get3A_134 = memref.load %arg1[%get3A_132, %get3A_133] : memref<5x9xf32, #tpu.memory_space<smem>>
    %mul3A_135 = vector.broadcast %get3A_134 : f32 to vector<256x1024xf32>
    %mul3A_136 = arith.mulf %mul3A_135, %max3A_68 : vector<256x1024xf32>
    %add3A_137 = arith.addf %add3A_131, %mul3A_136 : vector<256x1024xf32>
    %get3A_138 = arith.constant 1 : index
    %get3A_139 = arith.constant 0 : index
    %get3A_140 = memref.load %arg1[%get3A_138, %get3A_139] : memref<5x9xf32, #tpu.memory_space<smem>>
    %get3A_141 = arith.constant 1 : index
    %get3A_142 = arith.constant 1 : index
    %get3A_143 = memref.load %arg1[%get3A_141, %get3A_142] : memref<5x9xf32, #tpu.memory_space<smem>>
    %mul3A_144 = vector.broadcast %get3A_143 : f32 to vector<256x1024xf32>
    %mul3A_145 = arith.mulf %mul3A_144, %min3A_12 : vector<256x1024xf32>
    %add3A_146 = vector.broadcast %get3A_140 : f32 to vector<256x1024xf32>
    %add3A_147 = arith.addf %add3A_146, %mul3A_145 : vector<256x1024xf32>
    %get3A_148 = arith.constant 1 : index
    %get3A_149 = arith.constant 2 : index
    %get3A_150 = memref.load %arg1[%get3A_148, %get3A_149] : memref<5x9xf32, #tpu.memory_space<smem>>
    %mul3A_151 = vector.broadcast %get3A_150 : f32 to vector<256x1024xf32>
    %mul3A_152 = arith.mulf %mul3A_151, %max3A_32 : vector<256x1024xf32>
    %add3A_153 = arith.addf %add3A_147, %mul3A_152 : vector<256x1024xf32>
    %get3A_154 = arith.constant 1 : index
    %get3A_155 = arith.constant 3 : index
    %get3A_156 = memref.load %arg1[%get3A_154, %get3A_155] : memref<5x9xf32, #tpu.memory_space<smem>>
    %mul3A_157 = vector.broadcast %get3A_156 : f32 to vector<256x1024xf32>
    %mul3A_158 = arith.mulf %mul3A_157, %max3A_38 : vector<256x1024xf32>
    %add3A_159 = arith.addf %add3A_153, %mul3A_158 : vector<256x1024xf32>
    %get3A_160 = arith.constant 1 : index
    %get3A_161 = arith.constant 4 : index
    %get3A_162 = memref.load %arg1[%get3A_160, %get3A_161] : memref<5x9xf32, #tpu.memory_space<smem>>
    %mul3A_163 = vector.broadcast %get3A_162 : f32 to vector<256x1024xf32>
    %mul3A_164 = arith.mulf %mul3A_163, %max3A_44 : vector<256x1024xf32>
    %add3A_165 = arith.addf %add3A_159, %mul3A_164 : vector<256x1024xf32>
    %get3A_166 = arith.constant 1 : index
    %get3A_167 = arith.constant 5 : index
    %get3A_168 = memref.load %arg1[%get3A_166, %get3A_167] : memref<5x9xf32, #tpu.memory_space<smem>>
    %mul3A_169 = vector.broadcast %get3A_168 : f32 to vector<256x1024xf32>
    %mul3A_170 = arith.mulf %mul3A_169, %max3A_50 : vector<256x1024xf32>
    %add3A_171 = arith.addf %add3A_165, %mul3A_170 : vector<256x1024xf32>
    %get3A_172 = arith.constant 1 : index
    %get3A_173 = arith.constant 6 : index
    %get3A_174 = memref.load %arg1[%get3A_172, %get3A_173] : memref<5x9xf32, #tpu.memory_space<smem>>
    %mul3A_175 = vector.broadcast %get3A_174 : f32 to vector<256x1024xf32>
    %mul3A_176 = arith.mulf %mul3A_175, %max3A_56 : vector<256x1024xf32>
    %add3A_177 = arith.addf %add3A_171, %mul3A_176 : vector<256x1024xf32>
    %get3A_178 = arith.constant 1 : index
    %get3A_179 = arith.constant 7 : index
    %get3A_180 = memref.load %arg1[%get3A_178, %get3A_179] : memref<5x9xf32, #tpu.memory_space<smem>>
    %mul3A_181 = vector.broadcast %get3A_180 : f32 to vector<256x1024xf32>
    %mul3A_182 = arith.mulf %mul3A_181, %max3A_62 : vector<256x1024xf32>
    %add3A_183 = arith.addf %add3A_177, %mul3A_182 : vector<256x1024xf32>
    %get3A_184 = arith.constant 1 : index
    %get3A_185 = arith.constant 8 : index
    %get3A_186 = memref.load %arg1[%get3A_184, %get3A_185] : memref<5x9xf32, #tpu.memory_space<smem>>
    %mul3A_187 = vector.broadcast %get3A_186 : f32 to vector<256x1024xf32>
    %mul3A_188 = arith.mulf %mul3A_187, %max3A_68 : vector<256x1024xf32>
    %add3A_189 = arith.addf %add3A_183, %mul3A_188 : vector<256x1024xf32>
    %mul3A_190 = arith.mulf %min3A_26, %add3A_189 : vector<256x1024xf32>
    %add3A_191 = arith.addf %add3A_137, %mul3A_190 : vector<256x1024xf32>
    %get3A_192 = arith.constant 2 : index
    %get3A_193 = arith.constant 0 : index
    %get3A_194 = memref.load %arg1[%get3A_192, %get3A_193] : memref<5x9xf32, #tpu.memory_space<smem>>
    %get3A_195 = arith.constant 2 : index
    %get3A_196 = arith.constant 1 : index
    %get3A_197 = memref.load %arg1[%get3A_195, %get3A_196] : memref<5x9xf32, #tpu.memory_space<smem>>
    %mul3A_198 = vector.broadcast %get3A_197 : f32 to vector<256x1024xf32>
    %mul3A_199 = arith.mulf %mul3A_198, %min3A_12 : vector<256x1024xf32>
    %add3A_200 = vector.broadcast %get3A_194 : f32 to vector<256x1024xf32>
    %add3A_201 = arith.addf %add3A_200, %mul3A_199 : vector<256x1024xf32>
    %get3A_202 = arith.constant 2 : index
    %get3A_203 = arith.constant 2 : index
    %get3A_204 = memref.load %arg1[%get3A_202, %get3A_203] : memref<5x9xf32, #tpu.memory_space<smem>>
    %mul3A_205 = vector.broadcast %get3A_204 : f32 to vector<256x1024xf32>
    %mul3A_206 = arith.mulf %mul3A_205, %max3A_32 : vector<256x1024xf32>
    %add3A_207 = arith.addf %add3A_201, %mul3A_206 : vector<256x1024xf32>
    %get3A_208 = arith.constant 2 : index
    %get3A_209 = arith.constant 3 : index
    %get3A_210 = memref.load %arg1[%get3A_208, %get3A_209] : memref<5x9xf32, #tpu.memory_space<smem>>
    %mul3A_211 = vector.broadcast %get3A_210 : f32 to vector<256x1024xf32>
    %mul3A_212 = arith.mulf %mul3A_211, %max3A_38 : vector<256x1024xf32>
    %add3A_213 = arith.addf %add3A_207, %mul3A_212 : vector<256x1024xf32>
    %get3A_214 = arith.constant 2 : index
    %get3A_215 = arith.constant 4 : index
    %get3A_216 = memref.load %arg1[%get3A_214, %get3A_215] : memref<5x9xf32, #tpu.memory_space<smem>>
    %mul3A_217 = vector.broadcast %get3A_216 : f32 to vector<256x1024xf32>
    %mul3A_218 = arith.mulf %mul3A_217, %max3A_44 : vector<256x1024xf32>
    %add3A_219 = arith.addf %add3A_213, %mul3A_218 : vector<256x1024xf32>
    %get3A_220 = arith.constant 2 : index
    %get3A_221 = arith.constant 5 : index
    %get3A_222 = memref.load %arg1[%get3A_220, %get3A_221] : memref<5x9xf32, #tpu.memory_space<smem>>
    %mul3A_223 = vector.broadcast %get3A_222 : f32 to vector<256x1024xf32>
    %mul3A_224 = arith.mulf %mul3A_223, %max3A_50 : vector<256x1024xf32>
    %add3A_225 = arith.addf %add3A_219, %mul3A_224 : vector<256x1024xf32>
    %get3A_226 = arith.constant 2 : index
    %get3A_227 = arith.constant 6 : index
    %get3A_228 = memref.load %arg1[%get3A_226, %get3A_227] : memref<5x9xf32, #tpu.memory_space<smem>>
    %mul3A_229 = vector.broadcast %get3A_228 : f32 to vector<256x1024xf32>
    %mul3A_230 = arith.mulf %mul3A_229, %max3A_56 : vector<256x1024xf32>
    %add3A_231 = arith.addf %add3A_225, %mul3A_230 : vector<256x1024xf32>
    %get3A_232 = arith.constant 2 : index
    %get3A_233 = arith.constant 7 : index
    %get3A_234 = memref.load %arg1[%get3A_232, %get3A_233] : memref<5x9xf32, #tpu.memory_space<smem>>
    %mul3A_235 = vector.broadcast %get3A_234 : f32 to vector<256x1024xf32>
    %mul3A_236 = arith.mulf %mul3A_235, %max3A_62 : vector<256x1024xf32>
    %add3A_237 = arith.addf %add3A_231, %mul3A_236 : vector<256x1024xf32>
    %get3A_238 = arith.constant 2 : index
    %get3A_239 = arith.constant 8 : index
    %get3A_240 = memref.load %arg1[%get3A_238, %get3A_239] : memref<5x9xf32, #tpu.memory_space<smem>>
    %mul3A_241 = vector.broadcast %get3A_240 : f32 to vector<256x1024xf32>
    %mul3A_242 = arith.mulf %mul3A_241, %max3A_68 : vector<256x1024xf32>
    %add3A_243 = arith.addf %add3A_237, %mul3A_242 : vector<256x1024xf32>
    %mul3A_244 = arith.mulf %max3A_74, %add3A_243 : vector<256x1024xf32>
    %add3A_245 = arith.addf %add3A_191, %mul3A_244 : vector<256x1024xf32>
    %get3A_246 = arith.constant 3 : index
    %get3A_247 = arith.constant 0 : index
    %get3A_248 = memref.load %arg1[%get3A_246, %get3A_247] : memref<5x9xf32, #tpu.memory_space<smem>>
    %get3A_249 = arith.constant 3 : index
    %get3A_250 = arith.constant 1 : index
    %get3A_251 = memref.load %arg1[%get3A_249, %get3A_250] : memref<5x9xf32, #tpu.memory_space<smem>>
    %mul3A_252 = vector.broadcast %get3A_251 : f32 to vector<256x1024xf32>
    %mul3A_253 = arith.mulf %mul3A_252, %min3A_12 : vector<256x1024xf32>
    %add3A_254 = vector.broadcast %get3A_248 : f32 to vector<256x1024xf32>
    %add3A_255 = arith.addf %add3A_254, %mul3A_253 : vector<256x1024xf32>
    %get3A_256 = arith.constant 3 : index
    %get3A_257 = arith.constant 2 : index
    %get3A_258 = memref.load %arg1[%get3A_256, %get3A_257] : memref<5x9xf32, #tpu.memory_space<smem>>
    %mul3A_259 = vector.broadcast %get3A_258 : f32 to vector<256x1024xf32>
    %mul3A_260 = arith.mulf %mul3A_259, %max3A_32 : vector<256x1024xf32>
    %add3A_261 = arith.addf %add3A_255, %mul3A_260 : vector<256x1024xf32>
    %get3A_262 = arith.constant 3 : index
    %get3A_263 = arith.constant 3 : index
    %get3A_264 = memref.load %arg1[%get3A_262, %get3A_263] : memref<5x9xf32, #tpu.memory_space<smem>>
    %mul3A_265 = vector.broadcast %get3A_264 : f32 to vector<256x1024xf32>
    %mul3A_266 = arith.mulf %mul3A_265, %max3A_38 : vector<256x1024xf32>
    %add3A_267 = arith.addf %add3A_261, %mul3A_266 : vector<256x1024xf32>
    %get3A_268 = arith.constant 3 : index
    %get3A_269 = arith.constant 4 : index
    %get3A_270 = memref.load %arg1[%get3A_268, %get3A_269] : memref<5x9xf32, #tpu.memory_space<smem>>
    %mul3A_271 = vector.broadcast %get3A_270 : f32 to vector<256x1024xf32>
    %mul3A_272 = arith.mulf %mul3A_271, %max3A_44 : vector<256x1024xf32>
    %add3A_273 = arith.addf %add3A_267, %mul3A_272 : vector<256x1024xf32>
    %get3A_274 = arith.constant 3 : index
    %get3A_275 = arith.constant 5 : index
    %get3A_276 = memref.load %arg1[%get3A_274, %get3A_275] : memref<5x9xf32, #tpu.memory_space<smem>>
    %mul3A_277 = vector.broadcast %get3A_276 : f32 to vector<256x1024xf32>
    %mul3A_278 = arith.mulf %mul3A_277, %max3A_50 : vector<256x1024xf32>
    %add3A_279 = arith.addf %add3A_273, %mul3A_278 : vector<256x1024xf32>
    %get3A_280 = arith.constant 3 : index
    %get3A_281 = arith.constant 6 : index
    %get3A_282 = memref.load %arg1[%get3A_280, %get3A_281] : memref<5x9xf32, #tpu.memory_space<smem>>
    %mul3A_283 = vector.broadcast %get3A_282 : f32 to vector<256x1024xf32>
    %mul3A_284 = arith.mulf %mul3A_283, %max3A_56 : vector<256x1024xf32>
    %add3A_285 = arith.addf %add3A_279, %mul3A_284 : vector<256x1024xf32>
    %get3A_286 = arith.constant 3 : index
    %get3A_287 = arith.constant 7 : index
    %get3A_288 = memref.load %arg1[%get3A_286, %get3A_287] : memref<5x9xf32, #tpu.memory_space<smem>>
    %mul3A_289 = vector.broadcast %get3A_288 : f32 to vector<256x1024xf32>
    %mul3A_290 = arith.mulf %mul3A_289, %max3A_62 : vector<256x1024xf32>
    %add3A_291 = arith.addf %add3A_285, %mul3A_290 : vector<256x1024xf32>
    %get3A_292 = arith.constant 3 : index
    %get3A_293 = arith.constant 8 : index
    %get3A_294 = memref.load %arg1[%get3A_292, %get3A_293] : memref<5x9xf32, #tpu.memory_space<smem>>
    %mul3A_295 = vector.broadcast %get3A_294 : f32 to vector<256x1024xf32>
    %mul3A_296 = arith.mulf %mul3A_295, %max3A_68 : vector<256x1024xf32>
    %add3A_297 = arith.addf %add3A_291, %mul3A_296 : vector<256x1024xf32>
    %mul3A_298 = arith.mulf %max3A_80, %add3A_297 : vector<256x1024xf32>
    %add3A_299 = arith.addf %add3A_245, %mul3A_298 : vector<256x1024xf32>
    %get3A_300 = arith.constant 4 : index
    %get3A_301 = arith.constant 0 : index
    %get3A_302 = memref.load %arg1[%get3A_300, %get3A_301] : memref<5x9xf32, #tpu.memory_space<smem>>
    %get3A_303 = arith.constant 4 : index
    %get3A_304 = arith.constant 1 : index
    %get3A_305 = memref.load %arg1[%get3A_303, %get3A_304] : memref<5x9xf32, #tpu.memory_space<smem>>
    %mul3A_306 = vector.broadcast %get3A_305 : f32 to vector<256x1024xf32>
    %mul3A_307 = arith.mulf %mul3A_306, %min3A_12 : vector<256x1024xf32>
    %add3A_308 = vector.broadcast %get3A_302 : f32 to vector<256x1024xf32>
    %add3A_309 = arith.addf %add3A_308, %mul3A_307 : vector<256x1024xf32>
    %get3A_310 = arith.constant 4 : index
    %get3A_311 = arith.constant 2 : index
    %get3A_312 = memref.load %arg1[%get3A_310, %get3A_311] : memref<5x9xf32, #tpu.memory_space<smem>>
    %mul3A_313 = vector.broadcast %get3A_312 : f32 to vector<256x1024xf32>
    %mul3A_314 = arith.mulf %mul3A_313, %max3A_32 : vector<256x1024xf32>
    %add3A_315 = arith.addf %add3A_309, %mul3A_314 : vector<256x1024xf32>
    %get3A_316 = arith.constant 4 : index
    %get3A_317 = arith.constant 3 : index
    %get3A_318 = memref.load %arg1[%get3A_316, %get3A_317] : memref<5x9xf32, #tpu.memory_space<smem>>
    %mul3A_319 = vector.broadcast %get3A_318 : f32 to vector<256x1024xf32>
    %mul3A_320 = arith.mulf %mul3A_319, %max3A_38 : vector<256x1024xf32>
    %add3A_321 = arith.addf %add3A_315, %mul3A_320 : vector<256x1024xf32>
    %get3A_322 = arith.constant 4 : index
    %get3A_323 = arith.constant 4 : index
    %get3A_324 = memref.load %arg1[%get3A_322, %get3A_323] : memref<5x9xf32, #tpu.memory_space<smem>>
    %mul3A_325 = vector.broadcast %get3A_324 : f32 to vector<256x1024xf32>
    %mul3A_326 = arith.mulf %mul3A_325, %max3A_44 : vector<256x1024xf32>
    %add3A_327 = arith.addf %add3A_321, %mul3A_326 : vector<256x1024xf32>
    %get3A_328 = arith.constant 4 : index
    %get3A_329 = arith.constant 5 : index
    %get3A_330 = memref.load %arg1[%get3A_328, %get3A_329] : memref<5x9xf32, #tpu.memory_space<smem>>
    %mul3A_331 = vector.broadcast %get3A_330 : f32 to vector<256x1024xf32>
    %mul3A_332 = arith.mulf %mul3A_331, %max3A_50 : vector<256x1024xf32>
    %add3A_333 = arith.addf %add3A_327, %mul3A_332 : vector<256x1024xf32>
    %get3A_334 = arith.constant 4 : index
    %get3A_335 = arith.constant 6 : index
    %get3A_336 = memref.load %arg1[%get3A_334, %get3A_335] : memref<5x9xf32, #tpu.memory_space<smem>>
    %mul3A_337 = vector.broadcast %get3A_336 : f32 to vector<256x1024xf32>
    %mul3A_338 = arith.mulf %mul3A_337, %max3A_56 : vector<256x1024xf32>
    %add3A_339 = arith.addf %add3A_333, %mul3A_338 : vector<256x1024xf32>
    %get3A_340 = arith.constant 4 : index
    %get3A_341 = arith.constant 7 : index
    %get3A_342 = memref.load %arg1[%get3A_340, %get3A_341] : memref<5x9xf32, #tpu.memory_space<smem>>
    %mul3A_343 = vector.broadcast %get3A_342 : f32 to vector<256x1024xf32>
    %mul3A_344 = arith.mulf %mul3A_343, %max3A_62 : vector<256x1024xf32>
    %add3A_345 = arith.addf %add3A_339, %mul3A_344 : vector<256x1024xf32>
    %get3A_346 = arith.constant 4 : index
    %get3A_347 = arith.constant 8 : index
    %get3A_348 = memref.load %arg1[%get3A_346, %get3A_347] : memref<5x9xf32, #tpu.memory_space<smem>>
    %mul3A_349 = vector.broadcast %get3A_348 : f32 to vector<256x1024xf32>
    %mul3A_350 = arith.mulf %mul3A_349, %max3A_68 : vector<256x1024xf32>
    %add3A_351 = arith.addf %add3A_345, %mul3A_350 : vector<256x1024xf32>
    %mul3A_352 = arith.mulf %max3A_86, %add3A_351 : vector<256x1024xf32>
    %add3A_353 = arith.addf %add3A_299, %mul3A_352 : vector<256x1024xf32>
    %swap3A = arith.constant 0 : index
    %swap3A_354 = arith.constant 0 : index
    %swap3A_355 = vector.load %arg5[%swap3A, %swap3A_354] : memref<256x1024xf32, #tpu.memory_space<vmem>>, vector<256x1024xf32>
    tpu.vector_store %arg5[%swap3A, %swap3A_354], %add3A_353 {strides = array<i32>} : memref<256x1024xf32, #tpu.memory_space<vmem>>, vector<256x1024xf32>,
    return
  }
  func.func @transform_0(%arg0: i32) -> (i32, i32) {
    %c0_i32 = arith.constant 0 : i32
    %c0_i32_0 = arith.constant 0 : i32
    %c0_i32_1 = arith.constant 0 : i32
    return %c0_i32, %c0_i32_0 : i32, i32
  }
  func.func @transform_1(%arg0: i32) -> (i32, i32) {
    %c0_i32 = arith.constant 0 : i32
    %c0_i32_0 = arith.constant 0 : i32
    %c0_i32_1 = arith.constant 0 : i32
    return %c0_i32, %c0_i32_0 : i32, i32
  }
  func.func @transform_2(%arg0: i32) -> (i32, i32) {
    %c0_i32 = arith.constant 0 : i32
    %c0_i32_0 = arith.constant 0 : i32
    return %arg0, %c0_i32 : i32, i32
  }
  func.func @transform_3(%arg0: i32) -> (i32, i32) {
    %c0_i32 = arith.constant 0 : i32
    %c0_i32_0 = arith.constant 0 : i32
    return %arg0, %c0_i32 : i32, i32
  }
  func.func @transform_4(%arg0: i32) -> (i32, i32) {
    %c0_i32 = arith.constant 0 : i32
    %c0_i32_0 = arith.constant 0 : i32
    return %arg0, %c0_i32 : i32, i32
  }
}

</mosaic_0001>

<sc_bundles>
// kernel: kernel.4.cloned.1.call-start
scs
__scs_entry_jumppad:
0x0: {  	(pc) =	sbr.rel $0x88, $3  }
0x1: {  	(tag) =	ssettag $0x0;
	lr =	simm.s32 $0x1  }
0x2: {  	[smem:$0x3F9D] =	sst lr;
	_ =	strace $0xD0000000  }
0x3: {  	_ = 	snop  }
0x4: {  	_ = 	snop  }
0x5: {  	_ = 	snop  }
0x6: {  	_ = 	snop  }
0x7: {  	_ = 	snop  }
__scs_overlays_trampoline_lowered:
0x8: {  	[smem:$0x3FAC] =	sst s0  }
0x9: {  	[smem:$0x3FAD] =	sst s1  }
0xa: {  	[smem:$0x3FAE] =	sst s2  }
0xb: {  	[smem:$0x3FAF] =	sst s3  }
0xc: {  	[smem:$0x3FB0] =	sst s4  }
0xd: {  	[smem:$0x3FB1] =	sst s5  }
0xe: {  	[smem:$0x3FB2] =	sst s6  }
0xf: {  	[smem:$0x3FB3] =	sst s7  }
0x10: {  	[smem:$0x3FB4] =	sst s8  }
0x11: {  	[smem:$0x3FB5] =	sst s9;
	s0 =	simm.s32 @!p0 $0x0  }
0x12: {  	s1 =	sld [smem:$0x3F9B];
	s0 =	simm.s32 @p0 $0x1  }
0x13: {  	[smem:$0x3FB6] =	sst s0;
	s0 =	simm.s32 @!p1 $0x0  }
0x14: {  	s2 =	sld [smem:$0x3F9A];
	s0 =	simm.s32 @p1 $0x1  }
0x15: {  	[smem:$0x3FB7] =	sst s0;
	s0 =	simm.s32 @!p2 $0x0  }
0x16: {  	s3 =	sld [smem:$0x3FDB];
	s0 =	simm.s32 @p2 $0x1  }
0x17: {  	s4 =	simm.s32 $0x1BF5;
	[smem:$0x3FB9] =	sst s0  }
0x18: {  	s0 =	sld [smem:$0x3F9C];
	_ =	swait.ge [sflag:s4], $0x0  }
0x19: {  	s7 =	sld [smem:$0x3F9D]  }
0x1a: {  	s8 =	sadd.s32 $0xFFFFE003, lr  }
0x1b: {  	s9 =	sadd.s32 $0xFFFFFEF7, lr;
	s5 =	simm.s32 $0xFFFFFFFF;
	p2 =	slt.u32 s8, $0xFFFFF086  }
0x1c: {  	p1 =	slt.u32 s9, $0xF7A;
	s5 =	simm.s32 @!p2 $0x0  }
0x1d: {  	s5 =	simm.s32 @p1 $0x1;
	p0 =	seq.s32 s7, s2  }
0x1e: {  	s7 =	smul.u32 @!p0 $0xF7A, s2;
	p2 =	seq.s32 @!p0 s5, $0x0  }
0x1f: {  	s9 =	smul.u32 $0xF7A, s1;
	s8 =	simm.s32 @!p0 $0x1BF5;
	p2 =	por !p2, p0  }
0x20: {  	[sflag:s8] =	ssyncset.s32 @!p0 $0xFFFFF086;
	s6 =	sadd.s32 @!p0 s3, s7;
	s7 =	simm.s32 @!p0 $0x108  }
0x21: {  	s3 =	sadd.s32 s3, s9;
	s6 =	sadd.s32 @!p0 $0x88, s6;
	s7 =	simm.s32 @p2 $0x1082  }
0x22: {  	[simem:s7], [sflag:s8] =	dma.local @!p0 [hbm:s6], $0xF7A  }
0x23: {  	s9 =	sor.u32 $0xD0000000, s2;
	s6 =	simm.s32 $0x108;
	_ =	swait.ge @!p0 [sflag:s8], $0x0  }
0x24: {  	s3 =	sadd.s32 $0x88, s3;
	s6 =	simm.s32 @!p1 $0x1082;
	[sflag:s4] =	ssyncset.s32 $0xFFFFF086  }
0x25: {  	[simem:s6], [sflag:s4] =	dma.local [hbm:s3], $0xF7A  }
0x26: {  	[smem:$0x3F9D] =	sst s1;
	(tag) =	ssettag s2;
	_ =	strace s9  }
0x27: {  	s1 =	sld [smem:$0x3FAD]  }
0x28: {  	s2 =	sld [smem:$0x3FAE]  }
0x29: {  	s4 =	sld [smem:$0x3FB0]  }
0x2a: {  	p0 =	seq.s32 s5, $0x0;
	s5 =	sld [smem:$0x3FB1]  }
0x2b: {  	s6 =	sld [smem:$0x3FB2]  }
0x2c: {  	s7 =	sld [smem:$0x3FB3]  }
0x2d: {  	s3 =	simm.s32 $0x108;
	s8 =	sld [smem:$0x3FB4]  }
0x2e: {  	s3 =	simm.s32 @!p0 $0x1082;
	s9 =	sld [smem:$0x3FB5]  }
0x2f: {  	lr =	sadd.s32 s0, s3;
	s0 =	sld [smem:$0x3FAC]  }
0x30: {  	s3 =	sld [smem:$0x3FAF]  }
0x31: {  	[smem:$0x3FB8] =	sst s10  }
0x32: {  	s10 =	sld [smem:$0x3FB6];
	_ =	sdelay $0x3  }
0x33: {  	p0 =	seq.s32 s10, $0x1;
	s10 =	sld [smem:$0x3FB8];
	_ =	sdelay $0x3  }
0x34: {  	[smem:$0x3FB8] =	sst s10  }
0x35: {  	s10 =	sld [smem:$0x3FB7];
	_ =	sdelay $0x3  }
0x36: {  	p1 =	seq.s32 s10, $0x1;
	s10 =	sld [smem:$0x3FB8];
	_ =	sdelay $0x3  }
0x37: {  	[smem:$0x3FB8] =	sst s10  }
0x38: {  	s10 =	sld [smem:$0x3FB9]  }
0x39: {  	_ = 	snop;
	(pc) =	sbr.ind lr, $3  }
0x3a: {  	_ = 	snop  }
0x3b: {  	_ = 	snop  }
0x3c: {  	p2 =	seq.s32 s10, $0x1;
	s10 =	sld [smem:$0x3FB8]  }
0x3d: {  	_ =	shalt  }
0x3e: {  	_ =	shalt  }
0x3f: {  	_ =	shalt  }
0x40: {  	_ =	shalt  }
0x41: {  	_ =	shalt  }
0x42: {  	_ =	shalt  }
0x43: {  	_ =	shalt  }
0x44: {  	_ =	shalt  }
0x45: {  	_ =	shalt  }
0x46: {  	_ =	shalt  }
0x47: {  	_ =	shalt  }
0x48: {  	_ =	shalt  }
0x49: {  	_ =	shalt  }
0x4a: {  	_ =	shalt  }
0x4b: {  	_ =	shalt  }
0x4c: {  	_ =	shalt  }
0x4d: {  	_ =	shalt  }
0x4e: {  	_ =	shalt  }
0x4f: {  	_ =	shalt  }
0x50: {  	_ =	shalt  }
0x51: {  	_ =	shalt  }
0x52: {  	_ =	shalt  }
0x53: {  	_ =	shalt  }
0x54: {  	_ =	shalt  }
0x55: {  	_ =	shalt  }
0x56: {  	_ =	shalt  }
0x57: {  	_ =	shalt  }
0x58: {  	_ =	shalt  }
0x59: {  	_ =	shalt  }
0x5a: {  	_ =	shalt  }
0x5b: {  	_ =	shalt  }
0x5c: {  	_ =	shalt  }
0x5d: {  	_ =	shalt  }
0x5e: {  	_ =	shalt  }
0x5f: {  	_ =	shalt  }
0x60: {  	_ =	shalt  }
0x61: {  	_ =	shalt  }
0x62: {  	_ =	shalt  }
0x63: {  	_ =	shalt  }
0x64: {  	_ =	shalt  }
0x65: {  	_ =	shalt  }
0x66: {  	_ =	shalt  }
0x67: {  	_ =	shalt  }
0x68: {  	_ =	shalt  }
0x69: {  	_ =	shalt  }
0x6a: {  	_ =	shalt  }
0x6b: {  	_ =	shalt  }
0x6c: {  	_ =	shalt  }
0x6d: {  	_ =	shalt  }
0x6e: {  	_ =	shalt  }
0x6f: {  	_ =	shalt  }
0x70: {  	_ =	shalt  }
0x71: {  	_ =	shalt  }
0x72: {  	_ =	shalt  }
0x73: {  	_ =	shalt  }
0x74: {  	_ =	shalt  }
0x75: {  	_ =	shalt  }
0x76: {  	_ =	shalt  }
0x77: {  	_ =	shalt  }
0x78: {  	_ =	shalt  }
0x79: {  	_ =	shalt  }
0x7a: {  	_ =	shalt  }
0x7b: {  	_ =	shalt  }
0x7c: {  	_ =	shalt  }
0x7d: {  	_ =	shalt  }
0x7e: {  	_ =	shalt  }
0x7f: {  	_ =	shalt  }
0x80: {  	_ =	shalt  }
0x81: {  	_ =	shalt  }
0x82: {  	_ =	shalt  }
0x83: {  	_ =	shalt  }
0x84: {  	_ =	shalt  }
0x85: {  	_ =	shalt  }
0x86: {  	_ =	shalt  }
0x87: {  	_ =	shalt  }
.Lfunc_end0:
.L_simem_size_0:
called_computation_lowered:
.L_overlay_start_0:
0x88: {  	s2 =	sld [smem:$0x3FD9]  }
0x89: {  	s3 =	sld [smem:$0x3FFE];
	_ =	sdelay $0x1  }
0x8a: {  	s1 =	srdreg.scid  }
0x8b: {  	s0 =	sand.u32 $0x1, s1  }
0x8c: {  	s16 =	sshll.u32 s0, $0xA;
	s2 =	sadd.s32 s3, s2  }
0x8d: {  	s2 =	sadd.s32 s2, s16  }
0x8e: {  	[smem:$0x3FC4] =	sst s2  }
0x8f: {  	_ = 	snop  }
0x90: {  	(tm) =	ssettm $0x1  }
0x91: {  	s17 =	sld [smem:$0x3FFB];
	_ =	sdelay $0x3  }
0x92: {  	_ =	strace s17  }
0x93: {  	s2 =	sld [smem:$0x3FFC];
	_ =	sdelay $0x3  }
0x94: {  	_ =	strace s2  }
0x95: {  	s2 =	sld [smem:$0x3FFD];
	_ =	sdelay $0x3  }
0x96: {  	_ =	strace s2  }
0x97: {  	_ =	strace $0x8FFFFFFF  }
0x98: {  	s18 =	sld [smem:$0x3FDB];
	_ =	sdelay $0x1  }
0x99: {  	s19 =	simm.s32 $_scs_section_size  }
0x9a: {  	s4 =	simm.s32 $_size__tile_overlayer_lowered;
	s5 =	simm.s32 $_tile_overlayer_lowered  }
0x9b: {  	s22 =	simm.s32 $0x1BFF;
	s21 =	sshll.u32 s5, $0x1;
	s2 =	sadd.s32 s19, s18  }
0x9c: {  	s6 =	simm.s32 $0x0;
	s20 =	sshll.u32 s4, $0x1;
	s4 =	sadd.s32 s21, s2  }
0x9d: {  	[timem:s6], [sflag:s22] =	dma.local [hbm:s4], s20  }
0x9e: {  	_ =	swait.ge [sflag:s22], s20  }
0x9f: {  	s3 =	ssub.s32 $0x0, s20;
	[sflag:s22] =	ssyncset.done $0x0  }
0xa0: {  	[sflag:s22] =	ssyncadd.s32 s3;
	_ =	sdelay $0x1  }
0xa1: {  	s23 =	simm.s32 $0x1B8B  }
0xa2: {  	_ =	swait.ge [sflag:s23], $0x1  }
0xa3: {  	[sflag:s23] =	ssyncset.done $0x0  }
0xa4: {  	s25 =	simm.s32 $0x1B8E;
	s24 =	sld [smem:$0x3FFE];
	[sflag:s23] =	ssyncadd.s32 $0xFFFFFFFF  }
0xa5: {  	s26 =	simm.s32 $execute0_lowered;
	[smem:$0x3FD2] =	sst s25  }
0xa6: {  	s4 =	sshll.u32 s26, $0x1;
	_ =	strace $0x80000046;
	[dreg:$0x1] =	wrdreg $0xFFFFFFFF  }
0xa7: {  	s28 =	simm.s32 $_size_execute0_lowered;
	s2 =	sadd.s32 s2, s4;
	[dreg:$0x0] =	wrdreg $0x0  }
0xa8: {  	s4 =	sshll.u32 s28, $0x1;
	[dreg:$0x2] =	wrdreg s2  }
0xa9: {  	[dreg:$0x3] =	wrdreg s4  }
0xaa: {  	[dreg:$0x4] =	wrdreg $0xC0  }
0xab: {  	_ =	task [dreg:s6], $0x5FFFF  }
0xac: {  	[dreg:$0x1] =	wrdreg $0xFFFFFFFF  }
0xad: {  	[dreg:$0x0] =	wrdreg $0x60  }
0xae: {  	[dreg:$0x2] =	wrdreg s24  }
0xaf: {  	[dreg:$0x3] =	wrdreg $0x9  }
0xb0: {  	_ =	task.clear_ibuf [dreg:s6], $0x4FFFF;
	_ =	strace $0x90000046  }
0xb1: {  	s29 =	simm.s32 $0x9;
	_ =	strace $0x80000048  }
0xb2: {  	_ =	swait.ge [sflag:s29], $0x1  }
0xb3: {  	[sflag:s29] =	ssyncadd.s32 $0xFFFFFFFF  }
0xb4: {  	_ =	strace $0x90000048  }
0xb5: {  	_ =	sfence  }
0xb6: {  	s30 =	sld [smem:$0x0];
	_ =	sdelay $0x2  }
0xb7: {  	s31 =	sshll.u32 s1, $0xD;
	s1 =	sshrl.u32 s1, $0x2  }
0xb8: {  	s3 =	sand.u32 $0x4000, s31;
	s1 =	sadd.s32 s1, s30  }
0xb9: {  	s0 =	sor.u32 s3, s0;
	s1 =	sshll.u32 s1, $0x11  }
0xba: {  	s0 =	sor.u32 s1, s0  }
0xbb: {  	s0 =	sadd.s32 $0x8F2B, s0  }
0xbc: {  	[sflag:s0] =	ssyncadd.remote.s32 $0x1  }
0xbd: {  	_ =	sfence.sel $0xFFFF  }
0xbe: {  	[dreg:$0x0] =	wrdreg $0xFFFFFFFF;
	(pc) =	sbr.abs _section_cstart, $3  }
0xbf: {  	[dreg:$0x1] =	wrdreg $0xFFFFFFFF  }
0xc0: {  	_ =	task.clear_ibuf [dreg:s6], $0x2FFFF;
	_ =	strace $0x9FFFFFFF  }
0xc1: {  	(tm) =	ssettm $0x7FFFFFFF  }
tec
execute0_lowered:
.L_overlay_start_1:
0x0: {  	(tag) =	ssettag $0x1  }
0x1: {  	s0 =	rddreg [dreg:$0x0];
	s2 =	simm.s32 $0x0  }
0x2: {  	s1 =	srdreg.scid;
	s3 =	stileid.u32;
	s30 =	simm.s32 $0x4300  }
0x3: {  	s31 =	simm.s32 $0xC300;
	s28 =	simm.s32 $0x4;
	s29 =	simm.s32 $0x14300  }
0x4: {  	s5 =	simm.s32 $0x0;
	[smem:$0x7FF] =	sst s2;
	s4 =	sadd.s32 $0xC00, s0  }
0x5: {  	s1 =	sand.u32 $0x1, s1;
	s3 =	sshll.u32 s3, $0x1;
	s15 =	sadd.s32 $0xE00, s0  }
0x6: {  	s16 =	sadd.s32 $0x1000, s0;
	_ =	strace $0x80000047;
	[dreg:$0x2] =	wrdreg s4  }
0x7: {  	s17 =	sadd.s32 $0x1200, s0;
	s18 =	sadd.s32 $0x181600, s0;
	[dreg:$0x3] =	wrdreg s15  }
0x8: {  	s19 =	sadd.s32 $0x181800, s0;
	s10 =	sadd.s32 $0x1400, s0;
	[dreg:$0x4] =	wrdreg s16  }
0x9: {  	s11 =	sadd.s32 $0xC1400, s0;
	s12 =	sadd.s32 $0x181A00, s0;
	[dreg:$0x5] =	wrdreg s17  }
0xa: {  	v0 =	vimm.f32 $1.000000000e+00;
	s3 =	sor.u32 s1, s3;
	[dreg:$0x6] =	wrdreg s18;
	s1 =	ssub.s32 $0x2, s1  }
0xb: {  	[dreg:$0x7] =	wrdreg s19;
	s8 =	smul.u32 $0x30000, s3;
	s20 =	sshrl.u32 s1, $0x1;
	(erf) = vrcp.f32 v0  }
0xc: {  	s4 =	simm.s32 $0x6;
	s3 =	simm.s32 $0x5;
	s22 =	ssub.s32 s1, s20  }
0xd: {  	s21 =	sshrl.u32 s8, $0x3;
	s17 =	sor.u32 $0x8000, s8;
	s18 =	sor.u32 $0x4000, s8  }
0xe: {  	s19 =	sor.u32 $0xC000, s8;
	s0 =	smax.u32 s22, $0x1;
	s22 =	simm.s32 $0x80  }
0xf: {  	s23 =	sor.u32 $0x800, s21;
	s24 =	sadd.s32 s10, s21;
	[dreg:$0xc] =	wrdreg s0  }
.Ltmp0:
0x10: {  	s25 =	sadd.s32 s11, s21;
	[dreg:$0x8] =	wrdreg s24;
	(pc) =	sbr.rel .LBB2_1-.Ltmp0, $4  }
0x11: {  	s21 =	simm.s32 $0x7;
	s0 =	simm.s32 $0x1;
	[dreg:$0x9] =	wrdreg s25  }
0x12: {  	s26 =	sadd.s32 s10, s23;
	s1 =	sadd.s32 s11, s23;
	s23 =	simm.s32 $0x100  }
0x13: {  	s24 =	simm.s32 $0x180;
	s25 =	simm.s32 $0x10300;
	[dreg:$0xa] =	wrdreg s26  }
0x14: {  	[dreg:$0xb] =	wrdreg s1;
	s1 =	simm.s32 $0x3;
	s26 =	simm.s32 $0x2;
	v0 =	vpop (erf)  }
.LBB2_8:
0x15: {  	_ =	swait.ge [sflag:s3], $0x4000  }
0x16: {  	[sflag:s3] =	ssyncset.done $0x0  }
0x17: {  	[sflag:s3] =	ssyncadd.s32 $0xFFFFC000  }
0x18: {  	_ =	swait.ge [sflag:s4], $0x4000  }
0x19: {  	s5 =	sadd.s32 $0x1, s5;
	s6 =	rddreg [dreg:$0xc]  }
0x1a: {  	p0 =	sne.s32 s5, s6  }
.Ltmp1:
0x1b: {  	_ = 	snop;
	(pc) =	sbr.rel @!p0 .LBB2_9-.Ltmp1, $3  }
0x1c: {  	_ =	sdelay $0x1  }
0x1d: {  	[sflag:s4] =	ssyncset.done $0x0  }
0x1e: {  	[sflag:s4] =	ssyncadd.s32 $0xFFFFC000  }
.LBB2_1:
0x1f: {  	s6 =	rddreg [dreg:$0x2]  }
0x20: {  	[tilespmem:s2], [sflag:$0x7] =	stream.linear.gather [hbm4b:s6+s2], $0x80, $0x38;
	[tilespmem:$0x18300] =	vst v63  }
0x21: {  	_ =	swait.ge [sflag:s21], $0x80  }
0x22: {  	[sflag:s21] =	ssyncset.done $0x0  }
0x23: {  	s9 =	rddreg [dreg:$0x3];
	[sflag:s21] =	ssyncadd.s32 $0xFFFFFF80  }
0x24: {  	[tilespmem:s22], [sflag:$0x7] =	stream.linear.gather [hbm4b:s9+s2], $0x80, $0x38;
	[tilespmem:$0x18300] =	vst v63  }
0x25: {  	_ =	swait.ge [sflag:s21], $0x80  }
0x26: {  	[sflag:s21] =	ssyncset.done $0x0  }
0x27: {  	s13 =	rddreg [dreg:$0x4];
	[sflag:s21] =	ssyncadd.s32 $0xFFFFFF80  }
0x28: {  	[tilespmem:s23], [sflag:$0x7] =	stream.linear.gather [hbm4b:s13+s2], $0x80, $0x38;
	[tilespmem:$0x18300] =	vst v63  }
0x29: {  	_ =	swait.ge [sflag:s21], $0x80  }
0x2a: {  	[sflag:s21] =	ssyncset.done $0x0  }
0x2b: {  	s14 =	rddreg [dreg:$0x5];
	[sflag:s21] =	ssyncadd.s32 $0xFFFFFF80  }
0x2c: {  	[tilespmem:s24], [sflag:$0x7] =	stream.linear.gather [hbm4b:s14+s2], $0x80, $0x38;
	[tilespmem:$0x18300] =	vst v63  }
0x2d: {  	_ =	swait.ge [sflag:s21], $0x80  }
0x2e: {  	[sflag:s21] =	ssyncset.done $0x0  }
0x2f: {  	s7 =	simm.s32 $0x200;
	s15 =	rddreg [dreg:$0x6];
	[sflag:s21] =	ssyncadd.s32 $0xFFFFFF80  }
0x30: {  	[tilespmem:s7], [sflag:$0x7] =	stream.linear.gather [hbm4b:s15+s2], $0x80, $0x38;
	[tilespmem:$0x18300] =	vst v63  }
0x31: {  	_ =	swait.ge [sflag:s21], $0x80  }
0x32: {  	[sflag:s21] =	ssyncset.done $0x0  }
0x33: {  	s20 =	simm.s32 $0x280;
	s16 =	rddreg [dreg:$0x7];
	[sflag:s21] =	ssyncadd.s32 $0xFFFFFF80  }
0x34: {  	[tilespmem:s20], [sflag:$0x7] =	stream.linear.gather [hbm4b:s16+s2], $0x80, $0x38;
	[tilespmem:$0x18300] =	vst v63  }
0x35: {  	_ =	swait.ge [sflag:s21], $0x80  }
0x36: {  	[sflag:s21] =	ssyncset.done $0x0  }
0x37: {  	[sflag:s21] =	ssyncadd.s32 $0xFFFFFF80  }
0x38: {  	s13 =	simm.s32 $0x300;
	s9 =	rddreg [dreg:$0x8];
	v1 =	vld [tilespmem:$0x200]  }
0x39: {  	v2 =	vld [tilespmem:$0x280];
	[tilespmem:s13], [sflag:$0x1] =	stream.linear.gather [hbm4b:s9+s2], $0x4000, $0x38  }
0x3a: {  	s15 =	simm.s32 $0x8300;
	s14 =	rddreg [dreg:$0x9]  }
0x3b: {  	[tilespmem:s15], [sflag:$0x3] =	stream.linear.gather [hbm4b:s14+s2], $0x4000, $0x38;
	[tilespmem:$0x18300] =	vst v63  }
0x3c: {  	s16 =	rddreg [dreg:$0xa]  }
0x3d: {  	[tilespmem:s30], [sflag:$0x2] =	stream.linear.gather [hbm4b:s16+s2], $0x4000, $0x38;
	[tilespmem:$0x18300] =	vst v63  }
0x3e: {  	s6 =	simm.s32 $0x0;
	s20 =	rddreg [dreg:$0xb]  }
0x3f: {  	[tilespmem:s31], [sflag:$0x4] =	stream.linear.gather [hbm4b:s20+s2], $0x4000, $0x38;
	[tilespmem:$0x18300] =	vst v63  }
.LBB2_2:
0x40: {  	_ =	swait.ge [sflag:s0], $0x4000  }
0x41: {  	[sflag:s0] =	ssyncset.done $0x0  }
0x42: {  	[sflag:s0] =	ssyncadd.s32 $0xFFFFC000  }
0x43: {  	_ =	swait.ge [sflag:s1], $0x4000  }
0x44: {  	p0 =	seq.s32 s6, $0x0;
	[sflag:s1] =	ssyncset.done $0x0  }
0x45: {  	s7 =	simm.s32 @!p0 $0x5;
	[sflag:s1] =	ssyncadd.s32 $0xFFFFC000  }
0x46: {  	_ =	swait.ge @!p0 [sflag:s7], $0x4000  }
0x47: {  	[sflag:s7] =	ssyncset.done @!p0 $0x0  }
0x48: {  	s15 =	simm.s32 $0x320;
	[sflag:s7] =	ssyncadd.s32 @!p0 $0xFFFFC000  }
0x49: {  	v3 =	vld [tilespmem:s15+$0x10]  }
0x4a: {  	v4 =	vld [tilespmem:s15+$0xFFFFFFF0]  }
0x4b: {  	s16 =	simm.s32 $0x8320;
	v5 =	vld [tilespmem:s15+$0x0]  }
0x4c: {  	v12 =	vld [tilespmem:s16+$0xFFFFFFE0]  }
0x4d: {  	v6 =	vld [tilespmem:s15+$0xFFFFFFE0];
	_ =	sdelay $0x1  }
0x4e: {  	v7 =	vld [tilespmem:s16+$0x10]  }
0x4f: {  	v3 =	vand.u32 $0x7FFFFFFF, v3;
	v4 =	vand.u32 $0x7FFFFFFF, v4  }
0x50: {  	v5 =	vand.u32 $0x7FFFFFFF, v5;
	v12 =	vsub.f32 v12, v1;
	v8 =	vmul.f32 v3, v0  }
0x51: {  	v6 =	vand.u32 $0x7FFFFFFF, v6;
	v9 =	vmul.f32 v4, v0;
	v10 =	vmul.f32 v5, v0  }
0x52: {  	v11 =	vmul.f32 v6, v0;
	v12 =	vmul.f32 v12, v2  }
0x53: {  	v7 =	vsub.f32 v7, v1;
	v8 =	vfloor.f32 v8;
	v9 =	vfloor.f32 v9  }
0x54: {  	v3 =	vsub.f32 v3, v8;
	v4 =	vsub.f32 v4, v9  }
0x55: {  	v9 =	vfloor.f32 v10;
	v10 =	vfloor.f32 v11;
	v12 =	vmax.f32 v12, $0.0e+00  }
0x56: {  	v6 =	vsub.f32 v6, v10;
	v5 =	vsub.f32 v5, v9;
	v13 =	vand.u32 $0x7FFFFFFF, v3  }
0x57: {  	v10 =	vand.u32 $0x7FFFFFFF, v4;
	vm0 =	veq.f32 v3, $1.000000000e+00;
	v9 =	vmul.f32 $1.600000000e+01, v13  }
0x58: {  	v8 =	vld [tilespmem:s16+$0xFFFFFFF0];
	v3 =	vmul.f32 v7, v2;
	vm1 =	veq.f32 v4, $1.000000000e+00;
	v7 =	vand.u32 $0x7FFFFFFF, v6  }
0x59: {  	v11 =	vld [tilespmem:s16+$0x0];
	v13 =	vand.u32 $0x7FFFFFFF, v5;
	vm11 =	veq.f32 v6, $1.000000000e+00;
	v9 =	vsel vm0, $0x0, v9  }
0x5a: {  	v4 =	vmul.f32 $1.600000000e+01, v10;
	v3 =	vmax.f32 v3, $0.0e+00;
	v14 =	vsub.f32 $1.600000000e+01, v9  }
0x5b: {  	vm2 =	veq.f32 v5, $1.000000000e+00;
	v7 =	vmul.f32 $1.600000000e+01, v7;
	v3 =	vmin.f32 v3, $4.000000000e+00  }
0x5c: {  	v5 =	vmul.f32 $1.600000000e+01, v13;
	v9 =	vmin.f32 v9, v14;
	v14 =	vtrunc.f32 v3  }
0x5d: {  	v8 =	vsub.f32 v8, v1;
	v6 =	vtrunc.f32 v9;
	v14 =	vcvt.f32.s32 v14  }
0x5e: {  	v11 =	vsub.f32 v11, v1;
	v4 =	vsel vm1, $0x0, v4;
	v6 =	vcvt.f32.s32 v6  }
0x5f: {  	v7 =	vsel vm11, $0x0, v7;
	v15 =	vsub.f32 $1.600000000e+01, v4;
	v10 =	vshll.u32 v14, $0x4  }
0x60: {  	v5 =	vsel vm2, $0x0, v5;
	v8 =	vmul.f32 v8, v2;
	v10 =	vadd.s32 v6, v10  }
0x61: {  	v12 =	vmin.f32 v12, $4.000000000e+00;
	v13 =	vsub.f32 $1.600000000e+01, v7;
	v16 =	vsub.f32 $1.600000000e+01, v5  }
0x62: {  	v11 =	vmul.f32 v11, v2;
	v15 =	vmin.f32 v4, v15;
	v8 =	vmax.f32 v8, $0.0e+00  }
0x63: {  	v7 =	vmin.f32 v7, v13;
	v13 =	vtrunc.f32 v12;
	v5 =	vmin.f32 v5, v16  }
0x64: {  	v21 =	vtrunc.f32 v15;
	v17 =	vmin.f32 v8, $4.000000000e+00;
	v8 =	vmax.f32 v11, $0.0e+00  }
0x65: {  	v20 =	vtrunc.f32 v7;
	v13 =	vcvt.f32.s32 v13;
	v11 =	vmin.f32 v8, $4.000000000e+00;
	v8 =	vld.idx.msk [tilespmem:v10+s24+$0x0], $0xffff  }
0x66: {  	v22 =	vtrunc.f32 v5;
	v6 =	vcvt.s32.f32 v6;
	v4 =	vld.idx.msk [tilespmem:v10+s22+$0x0], $0xffff  }
0x67: {  	v18 =	vtrunc.f32 v17;
	v19 =	vtrunc.f32 v11;
	v16 =	vld.idx.msk [tilespmem:v10+s23+$0x0], $0xffff  }
0x68: {  	v14 =	vcvt.s32.f32 v14;
	v23 =	vcvt.f32.s32 v19;
	v6 =	vsub.f32 v9, v6;
	v9 =	vld.idx.msk [tilespmem:v10+s2+$0x0], $0xffff  }
0x69: {  	v19 =	vcvt.f32.s32 v20;
	v20 =	vcvt.f32.s32 v21  }
0x6a: {  	v3 =	vsub.f32 v3, v14;
	v14 =	vcvt.f32.s32 v22;
	v8 =	vmul.f32 v6, v8  }
0x6b: {  	s20 =	simm.s32 $0x360;
	v10 =	vcvt.f32.s32 v18;
	v4 =	vmul.f32 v6, v4  }
0x6c: {  	v24 =	vld [tilespmem:s20+$0xFFFFFFE0];
	v22 =	vshll.u32 v23, $0x4;
	v18 =	vshll.u32 v13, $0x4;
	v6 =	vadd.f32 v8, v16  }
0x6d: {  	v21 =	vld [tilespmem:s20+$0x10];
	v8 =	vshll.u32 v10, $0x4;
	v16 =	vadd.s32 v19, v18;
	v4 =	vadd.f32 v4, v9  }
0x6e: {  	v9 =	vld [tilespmem:s20+$0xFFFFFFF0];
	v18 =	vadd.s32 v20, v8;
	v8 =	vcvt.s32.f32 v20;
	v3 =	vmul.f32 v6, v3  }
0x6f: {  	v20 =	vld [tilespmem:s20+$0x0];
	v6 =	vcvt.s32.f32 v19;
	v19 =	vadd.s32 v14, v22  }
0x70: {  	v14 =	vcvt.s32.f32 v14;
	v8 =	vsub.f32 v15, v8;
	v22 =	vadd.f32 v3, v4  }
0x71: {  	v4 =	vsub.f32 v7, v6;
	v6 =	vcvt.s32.f32 v13;
	v7 =	vcvt.s32.f32 v10  }
0x72: {  	s9 =	simm.s32 $0x8360;
	v3 =	vsub.f32 v5, v14;
	v10 =	vcvt.s32.f32 v23;
	v13 =	vand.u32 $0x7FFFFFFF, v21  }
0x73: {  	v14 =	vld [tilespmem:s9+$0x10];
	v21 =	vand.u32 $0x7FFFFFFF, v24;
	v9 =	vand.u32 $0x7FFFFFFF, v9;
	v15 =	vmul.f32 v13, v0  }
0x74: {  	v5 =	vsub.f32 v12, v6;
	v6 =	vsub.f32 v17, v7;
	v17 =	vand.u32 $0x7FFFFFFF, v20  }
0x75: {  	v12 =	vld.idx.msk [tilespmem:v16+s24+$0x0], $0xffff;
	v20 =	vmul.f32 v9, v0;
	v7 =	vsub.f32 v11, v10;
	v11 =	vmul.f32 v21, v0  }
0x76: {  	v23 =	vmul.f32 v17, v0;
	v10 =	vfloor.f32 v15  }
0x77: {  	v20 =	vfloor.f32 v20;
	v10 =	vsub.f32 v13, v10;
	v11 =	vfloor.f32 v11  }
0x78: {  	v13 =	vfloor.f32 v23;
	v9 =	vsub.f32 v9, v20;
	v14 =	vsub.f32 v14, v1  }
0x79: {  	v15 =	vld [tilespmem:s9+$0xFFFFFFE0];
	v11 =	vsub.f32 v21, v11;
	v24 =	vand.u32 $0x7FFFFFFF, v10;
	v13 =	vsub.f32 v17, v13  }
0x7a: {  	vm12 =	veq.f32 v10, $1.000000000e+00;
	v12 =	vmul.f32 v4, v12;
	v17 =	vmul.f32 $1.600000000e+01, v24  }
0x7b: {  	v21 =	vand.u32 $0x7FFFFFFF, v9;
	v10 =	vmul.f32 v14, v2;
	v14 =	vand.u32 $0x7FFFFFFF, v11  }
0x7c: {  	v23 =	vld [tilespmem:s9+$0xFFFFFFF0];
	vm13 =	veq.f32 v11, $1.000000000e+00;
	vm14 =	veq.f32 v9, $1.000000000e+00;
	v17 =	vsel vm12, $0x0, v17  }
0x7d: {  	v20 =	vld [tilespmem:s9+$0x0];
	v24 =	vand.u32 $0x7FFFFFFF, v13;
	v10 =	vmax.f32 v10, $0.0e+00;
	v25 =	vsub.f32 $1.600000000e+01, v17  }
0x7e: {  	v15 =	vsub.f32 v15, v1;
	v9 =	vmul.f32 $1.600000000e+01, v21;
	v29 =	vmin.f32 v10, $4.000000000e+00  }
0x7f: {  	v10 =	vmul.f32 $1.600000000e+01, v14;
	v14 =	vmin.f32 v17, v25;
	v17 =	vtrunc.f32 v29  }
0x80: {  	v32 =	vld.idx.msk [tilespmem:v18+s24+$0x0], $0xffff;
	vm15 =	veq.f32 v13, $1.000000000e+00;
	v11 =	vtrunc.f32 v14;
	v17 =	vcvt.f32.s32 v17  }
0x81: {  	v13 =	vmul.f32 $1.600000000e+01, v24;
	v23 =	vsub.f32 v23, v1;
	v11 =	vcvt.f32.s32 v11  }
0x82: {  	v20 =	vsub.f32 v20, v1;
	v9 =	vsel vm14, $0x0, v9;
	v21 =	vshll.u32 v17, $0x4  }
0x83: {  	v15 =	vmul.f32 v15, v2;
	v26 =	vsub.f32 $1.600000000e+01, v9;
	v25 =	vadd.s32 v11, v21  }
0x84: {  	v13 =	vsel vm15, $0x0, v13;
	v23 =	vmul.f32 v23, v2;
	v10 =	vsel vm13, $0x0, v10  }
0x85: {  	v28 =	vld.idx.msk [tilespmem:v16+s23+$0x0], $0xffff;
	v32 =	vmul.f32 v8, v32;
	v27 =	vsub.f32 $1.600000000e+01, v13;
	v24 =	vsub.f32 $1.600000000e+01, v10  }
0x86: {  	v15 =	vmax.f32 v15, $0.0e+00;
	v35 =	vmin.f32 v9, v26;
	v23 =	vmax.f32 v23, $0.0e+00  }
0x87: {  	v26 =	vmin.f32 v13, v27;
	v36 =	vtrunc.f32 v35;
	v34 =	vmin.f32 v10, v24  }
0x88: {  	v17 =	vcvt.s32.f32 v17;
	v21 =	vmul.f32 v20, v2;
	v20 =	vmin.f32 v15, $4.000000000e+00;
	v10 =	vld.idx.msk [tilespmem:v25+s24+$0x0], $0xffff  }
0x89: {  	v15 =	vmin.f32 v23, $4.000000000e+00;
	v11 =	vcvt.s32.f32 v11;
	v33 =	vtrunc.f32 v34;
	v31 =	vld.idx.msk [tilespmem:v25+s22+$0x0], $0xffff  }
0x8a: {  	v24 =	vadd.f32 v12, v28;
	v23 =	vtrunc.f32 v20;
	v30 =	vtrunc.f32 v15;
	v13 =	vld.idx.msk [tilespmem:v25+s23+$0x0], $0xffff  }
0x8b: {  	v37 =	vld.idx.msk [tilespmem:v19+s24+$0x0], $0xffff;
	v33 =	vcvt.f32.s32 v33;
	v27 =	vcvt.f32.s32 v23;
	v11 =	vsub.f32 v14, v11  }
0x8c: {  	v21 =	vmax.f32 v21, $0.0e+00;
	v23 =	vtrunc.f32 v26;
	v30 =	vcvt.f32.s32 v30;
	v25 =	vld.idx.msk [tilespmem:v25+s2+$0x0], $0xffff  }
0x8d: {  	v14 =	vld.idx.msk [tilespmem:v18+s23+$0x0], $0xffff;
	v21 =	vmin.f32 v21, $4.000000000e+00;
	v62 =	vcvt.f32.s32 v23;
	v38 =	vmul.f32 v11, v10  }
0x8e: {  	v17 =	vsub.f32 v29, v17;
	v23 =	vld.idx.msk [tilespmem:v19+s23+$0x0], $0xffff;
	v63 =	vcvt.s32.f32 v33;
	v9 =	vtrunc.f32 v21  }
0x8f: {  	s14 =	simm.s32 $0x10320;
	v28 =	vcvt.f32.s32 v9;
	v9 =	vld.idx.msk [tilespmem:v16+s22+$0x0], $0xffff;
	v29 =	vmul.f32 v11, v31;
	v31 =	vadd.f32 v38, v13  }
0x90: {  	[tilespmem:s14+$0x10] =	vst v22;
	v36 =	vcvt.f32.s32 v36;
	v12 =	vshll.u32 v27, $0x4;
	v39 =	vshll.u32 v30, $0x4;
	v10 =	vld.idx.msk [tilespmem:v18+s22+$0x0], $0xffff  }
0x91: {  	v22 =	vsub.f32 v34, v63;
	v11 =	vld.idx.msk [tilespmem:v19+s22+$0x0], $0xffff;
	v25 =	vadd.f32 v29, v25;
	v29 =	vmul.f32 v31, v17  }
0x92: {  	s7 =	sshll.u32 s6, $0xF;
	v18 =	vld.idx.msk [tilespmem:v18+s2+$0x0], $0xffff;
	v13 =	vadd.s32 v33, v12;
	v12 =	vadd.s32 v36, v39;
	v36 =	vcvt.s32.f32 v36  }
0x93: {  	s13 =	sadd.s32 s8, s7;
	v40 =	vshll.u32 v28, $0x4;
	v19 =	vld.idx.msk [tilespmem:v19+s2+$0x0], $0xffff;
	v33 =	vcvt.s32.f32 v62;
	v31 =	vadd.f32 v29, v25  }
0x94: {  	s15 =	simm.s32 $0x10360;
	s16 =	simm.s32 $0x40;
	s20 =	simm.s32 $0x3A0;
	v17 =	vld.idx.msk [tilespmem:v16+s2+$0x0], $0xffff;
	v16 =	vadd.s32 v62, v40;
	v29 =	vsub.f32 v35, v36;
	v25 =	vmul.f32 v3, v37  }
.LBB2_3:
0x95: {  	v34 =	vld [tilespmem:s20+$0x10];
	s16 =	sadd.s32 $0x40, s16;
	v27 =	vcvt.s32.f32 v27;
	v30 =	vcvt.s32.f32 v30;
	v26 =	vsub.f32 v26, v33;
	[tilespmem:s15+$0x10] =	vst v31  }
0x96: {  	v28 =	vcvt.s32.f32 v28;
	v14 =	vadd.f32 v32, v14;
	v31 =	vld [tilespmem:s20+$0xFFFFFFF0];
	p1 =	slt.u32 s16, $0x3FC0;
	v23 =	vadd.f32 v25, v23  }
0x97: {  	v9 =	vmul.f32 v4, v9;
	v8 =	vmul.f32 v8, v10;
	v4 =	vmovc v22;
	v25 =	vld [tilespmem:s20+$0x0];
	v20 =	vsub.f32 v20, v27  }
0x98: {  	v11 =	vmul.f32 v3, v11;
	v15 =	vsub.f32 v15, v30;
	v21 =	vsub.f32 v21, v28;
	v3 =	vmovc v26;
	v10 =	vld [tilespmem:s20+$0xFFFFFFE0]  }
0x99: {  	v9 =	vadd.f32 v9, v17;
	v17 =	vmul.f32 v24, v5;
	v27 =	vmul.f32 v14, v6;
	v26 =	vld.idx.msk [tilespmem:v13+s24+$0x0], $0xffff  }
0x9a: {  	s9 =	sadd.s32 $0x40, s9;
	v28 =	vadd.f32 v8, v18;
	v32 =	vmul.f32 v23, v7;
	v5 =	vmovc v20;
	v14 =	vand.u32 $0x7FFFFFFF, v34;
	v22 =	vld.idx.msk [tilespmem:v12+s24+$0x0], $0xffff  }
0x9b: {  	v6 =	vmovc v15;
	v7 =	vmovc v21;
	v18 =	vand.u32 $0x7FFFFFFF, v31;
	v20 =	vld [tilespmem:s9+$0x10];
	v23 =	vmul.f32 v14, v0;
	v31 =	vadd.f32 v11, v19  }
0x9c: {  	v9 =	vadd.f32 v17, v9;
	v8 =	vmovc v29;
	v11 =	vld [tilespmem:s9+$0xFFFFFFE0];
	v15 =	vmul.f32 v18, v0;
	v19 =	vand.u32 $0x7FFFFFFF, v25  }
0x9d: {  	v10 =	vand.u32 $0x7FFFFFFF, v10;
	v17 =	vld [tilespmem:s9+$0xFFFFFFF0];
	v21 =	vmul.f32 v19, v0;
	v23 =	vfloor.f32 v23  }
0x9e: {  	v24 =	vmul.f32 v10, v0;
	v15 =	vfloor.f32 v15;
	v29 =	vld [tilespmem:s9+$0x0];
	v14 =	vsub.f32 v14, v23;
	[tilespmem:s14+$0xFFFFFFE0] =	vst v9  }
0x9f: {  	v30 =	vmul.f32 v4, v26;
	v15 =	vsub.f32 v18, v15;
	v18 =	vfloor.f32 v21;
	v25 =	vld.idx.msk [tilespmem:v16+s24+$0x0], $0xffff  }
0xa0: {  	v21 =	vfloor.f32 v24;
	v23 =	vand.u32 $0x7FFFFFFF, v14;
	v20 =	vsub.f32 v20, v1;
	v9 =	vld.idx.msk [tilespmem:v13+s22+$0x0], $0xffff  }
0xa1: {  	v24 =	vsub.f32 v19, v18;
	v21 =	vsub.f32 v10, v21;
	v18 =	vmul.f32 $1.600000000e+01, v23;
	v33 =	vld.idx.msk [tilespmem:v13+s23+$0x0], $0xffff  }
0xa2: {  	vm0 =	veq.f32 v14, $1.000000000e+00;
	v19 =	vand.u32 $0x7FFFFFFF, v15;
	v20 =	vmul.f32 v20, v2;
	v10 =	vld.idx.msk [tilespmem:v12+s22+$0x0], $0xffff  }
0xa3: {  	v34 =	vand.u32 $0x7FFFFFFF, v24;
	v26 =	vand.u32 $0x7FFFFFFF, v21;
	v18 =	vsel vm0, $0x0, v18;
	v14 =	vld.idx.msk [tilespmem:v12+s23+$0x0], $0xffff  }
0xa4: {  	v35 =	vsub.f32 v11, v1;
	v36 =	vsub.f32 $1.600000000e+01, v18;
	v20 =	vmax.f32 v20, $0.0e+00;
	v11 =	vld.idx.msk [tilespmem:v16+s22+$0x0], $0xffff  }
0xa5: {  	v37 =	vsub.f32 v17, v1;
	v29 =	vsub.f32 v29, v1;
	v38 =	vmin.f32 v20, $4.000000000e+00;
	v23 =	vld.idx.msk [tilespmem:v16+s23+$0x0], $0xffff  }
0xa6: {  	v20 =	vmul.f32 $1.600000000e+01, v26;
	v36 =	vmin.f32 v18, v36;
	v18 =	vtrunc.f32 v38;
	v17 =	vld.idx.msk [tilespmem:v13+s2+$0x0], $0xffff  }
0xa7: {  	vm0 =	veq.f32 v21, $1.000000000e+00;
	v13 =	vtrunc.f32 v36;
	v39 =	vcvt.f32.s32 v18;
	v18 =	vld.idx.msk [tilespmem:v12+s2+$0x0], $0xffff  }
0xa8: {  	vm1 =	veq.f32 v15, $1.000000000e+00;
	v12 =	vmul.f32 $1.600000000e+01, v19;
	v13 =	vcvt.f32.s32 v13;
	v19 =	vld.idx.msk [tilespmem:v16+s2+$0x0], $0xffff  }
0xa9: {  	vm2 =	veq.f32 v24, $1.000000000e+00;
	v15 =	vmul.f32 $1.600000000e+01, v34;
	v16 =	vshll.u32 v39, $0x4  }
0xaa: {  	v21 =	vmul.f32 v35, v2;
	v24 =	vmul.f32 v37, v2;
	v16 =	vadd.s32 v13, v16  }
0xab: {  	v29 =	vmul.f32 v29, v2;
	v26 =	vsel vm0, $0x0, v20;
	v12 =	vsel vm1, $0x0, v12  }
0xac: {  	v37 =	vsel vm2, $0x0, v15;
	v34 =	vsub.f32 $1.600000000e+01, v26;
	v35 =	vsub.f32 $1.600000000e+01, v12  }
0xad: {  	v15 =	vmax.f32 v21, $0.0e+00;
	v21 =	vmax.f32 v24, $0.0e+00;
	v24 =	vsub.f32 $1.600000000e+01, v37  }
0xae: {  	v20 =	vmin.f32 v15, $4.000000000e+00;
	v15 =	vmin.f32 v21, $4.000000000e+00;
	v21 =	vmax.f32 v29, $0.0e+00  }
0xaf: {  	v21 =	vmin.f32 v21, $4.000000000e+00;
	v29 =	vmin.f32 v26, v34;
	v34 =	vmin.f32 v12, v35;
	v12 =	vld.idx.msk [tilespmem:v16+s24+$0x0], $0xffff  }
0xb0: {  	v40 =	vtrunc.f32 v15;
	v26 =	vmin.f32 v37, v24;
	v35 =	vtrunc.f32 v20;
	v37 =	vld.idx.msk [tilespmem:v16+s22+$0x0], $0xffff  }
0xb1: {  	v41 =	vtrunc.f32 v21;
	v13 =	vcvt.s32.f32 v13;
	v24 =	vadd.f32 v30, v33;
	v42 =	vld.idx.msk [tilespmem:v16+s23+$0x0], $0xffff  }
0xb2: {  	v44 =	vadd.f32 v27, v28;
	v33 =	vtrunc.f32 v29;
	v43 =	vtrunc.f32 v34  }
0xb3: {  	v13 =	vsub.f32 v36, v13;
	v27 =	vcvt.f32.s32 v35;
	v35 =	vtrunc.f32 v26;
	v16 =	vld.idx.msk [tilespmem:v16+s2+$0x0], $0xffff  }
0xb4: {  	v31 =	vadd.f32 v32, v31;
	v30 =	vcvt.f32.s32 v40;
	v28 =	vcvt.f32.s32 v41;
	[tilespmem:s14+$0xFFFFFFF0] =	vst v44  }
0xb5: {  	v36 =	vcvt.s32.f32 v39;
	v32 =	vshll.u32 v27, $0x4;
	v12 =	vmul.f32 v13, v12  }
0xb6: {  	v33 =	vcvt.f32.s32 v33;
	v40 =	vshll.u32 v30, $0x4;
	v39 =	vcvt.f32.s32 v43;
	[tilespmem:s14+$0x0] =	vst v31;
	s14 =	smov.u32 s15  }
0xb7: {  	v31 =	vsub.f32 v38, v36;
	v36 =	vmul.f32 v13, v37;
	v37 =	vadd.f32 v12, v42  }
.Ltmp2:
0xb8: {  	v13 =	vadd.s32 v33, v32;
	v32 =	vcvt.f32.s32 v35;
	v35 =	vshll.u32 v28, $0x4;
	(pc) =	sbr.rel @p1 .LBB2_3-.Ltmp2, $4  }
0xb9: {  	v12 =	vadd.s32 v39, v40;
	v36 =	vadd.f32 v36, v16;
	v31 =	vmul.f32 v37, v31  }
0xba: {  	v38 =	vcvt.s32.f32 v39;
	v37 =	vcvt.s32.f32 v33;
	v16 =	vadd.s32 v32, v35  }
0xbb: {  	v33 =	vcvt.s32.f32 v32;
	v32 =	vmul.f32 v8, v22;
	v31 =	vadd.f32 v31, v36  }
0xbc: {  	s20 =	sadd.s32 $0x40, s20;
	v25 =	vmul.f32 v3, v25;
	s15 =	sadd.s32 $0x40, s15;
	v22 =	vsub.f32 v29, v37;
	v29 =	vsub.f32 v34, v38  }
0xbd: {  	_ =	sdelay $0x3  }
0xbe: {  	v34 =	vld.idx.msk [tilespmem:v13+s24+$0x0], $0xffff  }
0xbf: {  	v35 =	vld.idx.msk [tilespmem:v12+s24+$0x0], $0xffff  }
0xc0: {  	v36 =	vld.idx.msk [tilespmem:v16+s24+$0x0], $0xffff  }
0xc1: {  	v37 =	vld.idx.msk [tilespmem:v13+s22+$0x0], $0xffff  }
0xc2: {  	v27 =	vcvt.s32.f32 v27;
	v38 =	vld.idx.msk [tilespmem:v13+s23+$0x0], $0xffff  }
0xc3: {  	v30 =	vcvt.s32.f32 v30;
	v26 =	vsub.f32 v26, v33;
	v28 =	vcvt.s32.f32 v28;
	v53 =	vld.idx.msk [tilespmem:v12+s22+$0x0], $0xffff  }
0xc4: {  	v14 =	vadd.f32 v32, v14;
	v4 =	vmul.f32 v4, v9;
	v9 =	vld.idx.msk [tilespmem:v12+s23+$0x0], $0xffff;
	v8 =	vmul.f32 v8, v10  }
0xc5: {  	v3 =	vmul.f32 v3, v11;
	v11 =	vld.idx.msk [tilespmem:v16+s23+$0x0], $0xffff;
	v23 =	vadd.f32 v25, v23;
	v20 =	vsub.f32 v20, v27  }
0xc6: {  	v5 =	vmul.f32 v24, v5;
	v13 =	vld.idx.msk [tilespmem:v13+s2+$0x0], $0xffff;
	v10 =	vsub.f32 v15, v30;
	v21 =	vsub.f32 v21, v28  }
0xc7: {  	v15 =	vld.idx.msk [tilespmem:v16+s22+$0x0], $0xffff;
	v4 =	vadd.f32 v4, v17;
	v6 =	vmul.f32 v14, v6;
	v8 =	vadd.f32 v8, v18  }
0xc8: {  	v12 =	vld.idx.msk [tilespmem:v12+s2+$0x0], $0xffff;
	v3 =	vadd.f32 v3, v19;
	v7 =	vmul.f32 v23, v7;
	v14 =	vmul.f32 v22, v34  }
0xc9: {  	v4 =	vadd.f32 v5, v4;
	v5 =	vld.idx.msk [tilespmem:v16+s2+$0x0], $0xffff;
	v16 =	vmul.f32 v29, v35;
	v17 =	vmul.f32 v26, v36  }
0xca: {  	v6 =	vadd.f32 v6, v8;
	v8 =	vmul.f32 v22, v37;
	v14 =	vadd.f32 v14, v38  }
0xcb: {  	v9 =	vadd.f32 v16, v9;
	v11 =	vadd.f32 v17, v11;
	v16 =	vmul.f32 v29, v53  }
0xcc: {  	[tilespmem:s15+$0x10] =	vst v31;
	v15 =	vmul.f32 v26, v15;
	v8 =	vadd.f32 v8, v13;
	v13 =	vmul.f32 v14, v20  }
0xcd: {  	v3 =	vadd.f32 v7, v3;
	[tilespmem:s14+$0xFFFFFFE0] =	vst v4;
	v4 =	vmul.f32 v9, v10;
	v7 =	vadd.f32 v16, v12  }
0xce: {  	[tilespmem:s14+$0xFFFFFFF0] =	vst v6;
	v6 =	vmul.f32 v11, v21;
	v5 =	vadd.f32 v15, v5;
	v8 =	vadd.f32 v13, v8  }
0xcf: {  	[tilespmem:s14+$0x0] =	vst v3;
	v3 =	vadd.f32 v4, v7  }
0xd0: {  	v4 =	vadd.f32 v6, v5;
	[tilespmem:s15+$0xFFFFFFE0] =	vst v8  }
0xd1: {  	s9 =	sshrl.u32 s13, $0x3;
	[tilespmem:s15+$0xFFFFFFF0] =	vst v3  }
0xd2: {  	p1 =	seq.s32 s6, $0x5;
	s9 =	sadd.s32 s12, s9;
	[tilespmem:s15+$0x0] =	vst v4  }
0xd3: {  	[hbm4b:s9+s2] =	stream.linear.scatter [tilespmem:s25], [sflag:$0x5], $0x4000, $0x38;
	[tilespmem:$0x18300] =	vst v63  }
0xd4: {  	s9 =	sadd.s32 @!p1 s7, s17  }
0xd5: {  	s9 =	sshrl.u32 @!p1 s9, $0x3  }
0xd6: {  	s14 =	simm.s32 @!p1 $0x0;
	s15 =	simm.s32 @!p1 $0x300;
	s13 =	sadd.s32 @!p1 s10, s9  }
0xd7: {  	[tilespmem:s15], [sflag:$0x1] =	stream.linear.gather @!p1 [hbm4b:s13+s14], $0x4000, $0x38;
	[tilespmem:$0x18300] =	vst v63  }
0xd8: {  	s9 =	sadd.s32 @!p1 s11, s9;
	s13 =	simm.s32 @!p1 $0x8300  }
0xd9: {  	[tilespmem:s13], [sflag:$0x3] =	stream.linear.gather @!p1 [hbm4b:s9+s14], $0x4000, $0x38;
	[tilespmem:$0x18300] =	vst v63  }
0xda: {  	_ =	swait.ge [sflag:s26], $0x4000  }
0xdb: {  	[sflag:s26] =	ssyncset.done $0x0  }
0xdc: {  	[sflag:s26] =	ssyncadd.s32 $0xFFFFC000  }
0xdd: {  	_ =	swait.ge [sflag:s28], $0x4000  }
0xde: {  	[sflag:s28] =	ssyncset.done $0x0  }
0xdf: {  	s9 =	simm.s32 @!p0 $0x6;
	[sflag:s28] =	ssyncadd.s32 $0xFFFFC000  }
0xe0: {  	_ =	swait.ge @!p0 [sflag:s9], $0x4000  }
0xe1: {  	[sflag:s9] =	ssyncset.done @!p0 $0x0  }
0xe2: {  	s15 =	simm.s32 $0x4320;
	[sflag:s9] =	ssyncadd.s32 @!p0 $0xFFFFC000  }
0xe3: {  	v3 =	vld [tilespmem:s15+$0x10]  }
0xe4: {  	v4 =	vld [tilespmem:s15+$0xFFFFFFF0]  }
0xe5: {  	s16 =	simm.s32 $0xC320;
	v5 =	vld [tilespmem:s15+$0x0]  }
0xe6: {  	v12 =	vld [tilespmem:s16+$0xFFFFFFE0]  }
0xe7: {  	v6 =	vld [tilespmem:s15+$0xFFFFFFE0];
	_ =	sdelay $0x1  }
0xe8: {  	v7 =	vld [tilespmem:s16+$0x10]  }
0xe9: {  	v3 =	vand.u32 $0x7FFFFFFF, v3;
	v4 =	vand.u32 $0x7FFFFFFF, v4  }
0xea: {  	v5 =	vand.u32 $0x7FFFFFFF, v5;
	v12 =	vsub.f32 v12, v1;
	v8 =	vmul.f32 v3, v0  }
0xeb: {  	v6 =	vand.u32 $0x7FFFFFFF, v6;
	v9 =	vmul.f32 v4, v0;
	v10 =	vmul.f32 v5, v0  }
0xec: {  	v11 =	vmul.f32 v6, v0;
	v12 =	vmul.f32 v12, v2  }
0xed: {  	v7 =	vsub.f32 v7, v1;
	v8 =	vfloor.f32 v8;
	v9 =	vfloor.f32 v9  }
0xee: {  	v3 =	vsub.f32 v3, v8;
	v4 =	vsub.f32 v4, v9  }
0xef: {  	v9 =	vfloor.f32 v10;
	v10 =	vfloor.f32 v11;
	v12 =	vmax.f32 v12, $0.0e+00  }
0xf0: {  	v6 =	vsub.f32 v6, v10;
	v5 =	vsub.f32 v5, v9;
	v13 =	vand.u32 $0x7FFFFFFF, v3  }
0xf1: {  	v10 =	vand.u32 $0x7FFFFFFF, v4;
	vm0 =	veq.f32 v3, $1.000000000e+00;
	v9 =	vmul.f32 $1.600000000e+01, v13  }
0xf2: {  	v8 =	vld [tilespmem:s16+$0xFFFFFFF0];
	v3 =	vmul.f32 v7, v2;
	vm1 =	veq.f32 v4, $1.000000000e+00;
	v7 =	vand.u32 $0x7FFFFFFF, v6  }
0xf3: {  	v11 =	vld [tilespmem:s16+$0x0];
	v13 =	vand.u32 $0x7FFFFFFF, v5;
	vm11 =	veq.f32 v6, $1.000000000e+00;
	v9 =	vsel vm0, $0x0, v9  }
0xf4: {  	v4 =	vmul.f32 $1.600000000e+01, v10;
	v3 =	vmax.f32 v3, $0.0e+00;
	v14 =	vsub.f32 $1.600000000e+01, v9  }
0xf5: {  	vm2 =	veq.f32 v5, $1.000000000e+00;
	v7 =	vmul.f32 $1.600000000e+01, v7;
	v3 =	vmin.f32 v3, $4.000000000e+00  }
0xf6: {  	v5 =	vmul.f32 $1.600000000e+01, v13;
	v9 =	vmin.f32 v9, v14;
	v14 =	vtrunc.f32 v3  }
0xf7: {  	v8 =	vsub.f32 v8, v1;
	v6 =	vtrunc.f32 v9;
	v14 =	vcvt.f32.s32 v14  }
0xf8: {  	v11 =	vsub.f32 v11, v1;
	v4 =	vsel vm1, $0x0, v4;
	v6 =	vcvt.f32.s32 v6  }
0xf9: {  	v7 =	vsel vm11, $0x0, v7;
	v15 =	vsub.f32 $1.600000000e+01, v4;
	v10 =	vshll.u32 v14, $0x4  }
0xfa: {  	v5 =	vsel vm2, $0x0, v5;
	v8 =	vmul.f32 v8, v2;
	v10 =	vadd.s32 v6, v10  }
0xfb: {  	v12 =	vmin.f32 v12, $4.000000000e+00;
	v13 =	vsub.f32 $1.600000000e+01, v7;
	v16 =	vsub.f32 $1.600000000e+01, v5  }
0xfc: {  	v11 =	vmul.f32 v11, v2;
	v15 =	vmin.f32 v4, v15;
	v8 =	vmax.f32 v8, $0.0e+00  }
0xfd: {  	v7 =	vmin.f32 v7, v13;
	v13 =	vtrunc.f32 v12;
	v5 =	vmin.f32 v5, v16  }
0xfe: {  	v21 =	vtrunc.f32 v15;
	v17 =	vmin.f32 v8, $4.000000000e+00;
	v8 =	vmax.f32 v11, $0.0e+00  }
0xff: {  	v20 =	vtrunc.f32 v7;
	v13 =	vcvt.f32.s32 v13;
	v11 =	vmin.f32 v8, $4.000000000e+00;
	v8 =	vld.idx.msk [tilespmem:v10+s24+$0x0], $0xffff  }
0x100: {  	v22 =	vtrunc.f32 v5;
	v6 =	vcvt.s32.f32 v6;
	v4 =	vld.idx.msk [tilespmem:v10+s22+$0x0], $0xffff  }
0x101: {  	v18 =	vtrunc.f32 v17;
	v19 =	vtrunc.f32 v11;
	v16 =	vld.idx.msk [tilespmem:v10+s23+$0x0], $0xffff  }
0x102: {  	v14 =	vcvt.s32.f32 v14;
	v23 =	vcvt.f32.s32 v19;
	v6 =	vsub.f32 v9, v6;
	v9 =	vld.idx.msk [tilespmem:v10+s2+$0x0], $0xffff  }
0x103: {  	v19 =	vcvt.f32.s32 v20;
	v20 =	vcvt.f32.s32 v21  }
0x104: {  	v10 =	vcvt.f32.s32 v18;
	v8 =	vmul.f32 v6, v8  }
0x105: {  	s20 =	simm.s32 $0x4360;
	v3 =	vsub.f32 v3, v14;
	v18 =	vshll.u32 v13, $0x4;
	v4 =	vmul.f32 v6, v4  }
0x106: {  	v24 =	vld [tilespmem:s20+$0xFFFFFFE0];
	v14 =	vadd.s32 v19, v18;
	v6 =	vadd.f32 v8, v16;
	v8 =	vshll.u32 v10, $0x4  }
0x107: {  	v21 =	vld [tilespmem:s20+$0x10];
	v16 =	vcvt.f32.s32 v22;
	v22 =	vshll.u32 v23, $0x4;
	v4 =	vadd.f32 v4, v9  }
0x108: {  	v9 =	vld [tilespmem:s20+$0xFFFFFFF0];
	v18 =	vadd.s32 v20, v8;
	v8 =	vcvt.s32.f32 v20;
	v3 =	vmul.f32 v6, v3  }
0x109: {  	v20 =	vld [tilespmem:s20+$0x0];
	v6 =	vcvt.s32.f32 v19;
	v19 =	vadd.s32 v16, v22  }
0x10a: {  	v16 =	vcvt.s32.f32 v16;
	v8 =	vsub.f32 v15, v8;
	v22 =	vadd.f32 v3, v4  }
0x10b: {  	v4 =	vsub.f32 v7, v6;
	v6 =	vcvt.s32.f32 v13;
	v7 =	vcvt.s32.f32 v10  }
0x10c: {  	s9 =	simm.s32 $0xC360;
	v3 =	vsub.f32 v5, v16;
	v10 =	vcvt.s32.f32 v23;
	v13 =	vand.u32 $0x7FFFFFFF, v21  }
0x10d: {  	v15 =	vld [tilespmem:s9+$0x10];
	v21 =	vand.u32 $0x7FFFFFFF, v24;
	v9 =	vand.u32 $0x7FFFFFFF, v9;
	v16 =	vmul.f32 v13, v0  }
0x10e: {  	v5 =	vsub.f32 v12, v6;
	v6 =	vsub.f32 v17, v7;
	v17 =	vand.u32 $0x7FFFFFFF, v20  }
0x10f: {  	v12 =	vld.idx.msk [tilespmem:v14+s24+$0x0], $0xffff;
	v20 =	vmul.f32 v9, v0;
	v7 =	vsub.f32 v11, v10;
	v11 =	vmul.f32 v21, v0  }
0x110: {  	v23 =	vmul.f32 v17, v0;
	v10 =	vfloor.f32 v16  }
0x111: {  	v20 =	vfloor.f32 v20;
	v10 =	vsub.f32 v13, v10;
	v11 =	vfloor.f32 v11  }
0x112: {  	v16 =	vld [tilespmem:s9+$0xFFFFFFE0];
	v15 =	vsub.f32 v15, v1;
	v13 =	vfloor.f32 v23;
	v9 =	vsub.f32 v9, v20  }
0x113: {  	v11 =	vsub.f32 v21, v11;
	v24 =	vand.u32 $0x7FFFFFFF, v10;
	v13 =	vsub.f32 v17, v13  }
0x114: {  	vm12 =	veq.f32 v10, $1.000000000e+00;
	v10 =	vmul.f32 v15, v2;
	v12 =	vmul.f32 v4, v12  }
0x115: {  	v23 =	vld [tilespmem:s9+$0xFFFFFFF0];
	v17 =	vmul.f32 $1.600000000e+01, v24;
	v21 =	vand.u32 $0x7FFFFFFF, v9;
	v15 =	vand.u32 $0x7FFFFFFF, v11  }
0x116: {  	v20 =	vld [tilespmem:s9+$0x0];
	vm13 =	veq.f32 v11, $1.000000000e+00;
	vm14 =	veq.f32 v9, $1.000000000e+00;
	v24 =	vand.u32 $0x7FFFFFFF, v13  }
0x117: {  	v16 =	vsub.f32 v16, v1;
	v10 =	vmax.f32 v10, $0.0e+00;
	v17 =	vsel vm12, $0x0, v17  }
0x118: {  	v9 =	vmul.f32 $1.600000000e+01, v21;
	vm15 =	veq.f32 v13, $1.000000000e+00;
	v25 =	vsub.f32 $1.600000000e+01, v17  }
0x119: {  	v29 =	vmin.f32 v10, $4.000000000e+00;
	v10 =	vmul.f32 $1.600000000e+01, v15;
	v13 =	vmul.f32 $1.600000000e+01, v24  }
0x11a: {  	v54 =	vld.idx.msk [tilespmem:v18+s24+$0x0], $0xffff;
	v23 =	vsub.f32 v23, v1;
	v15 =	vtrunc.f32 v29;
	v17 =	vmin.f32 v17, v25  }
0x11b: {  	v20 =	vsub.f32 v20, v1;
	v25 =	vcvt.f32.s32 v15;
	v11 =	vtrunc.f32 v17  }
0x11c: {  	v9 =	vsel vm14, $0x0, v9;
	v10 =	vsel vm13, $0x0, v10;
	v11 =	vcvt.f32.s32 v11  }
0x11d: {  	v27 =	vsub.f32 $1.600000000e+01, v9;
	v13 =	vsel vm15, $0x0, v13;
	v15 =	vshll.u32 v25, $0x4  }
0x11e: {  	v21 =	vmul.f32 v23, v2;
	v26 =	vsub.f32 $1.600000000e+01, v10;
	v23 =	vadd.s32 v11, v15  }
0x11f: {  	v32 =	vmul.f32 v8, v54;
	v16 =	vmul.f32 v16, v2;
	v28 =	vsub.f32 $1.600000000e+01, v13  }
0x120: {  	v24 =	vmul.f32 v20, v2;
	v56 =	vmin.f32 v9, v27;
	v55 =	vmin.f32 v10, v26  }
0x121: {  	v26 =	vmin.f32 v13, v28;
	v59 =	vtrunc.f32 v56;
	v58 =	vtrunc.f32 v55  }
0x122: {  	v30 =	vld.idx.msk [tilespmem:v14+s23+$0x0], $0xffff;
	v39 =	vtrunc.f32 v26;
	v61 =	vcvt.f32.s32 v59  }
0x123: {  	v15 =	vmax.f32 v16, $0.0e+00;
	v16 =	vmax.f32 v21, $0.0e+00;
	v11 =	vcvt.s32.f32 v11;
	v10 =	vld.idx.msk [tilespmem:v23+s24+$0x0], $0xffff  }
0x124: {  	v20 =	vmin.f32 v15, $4.000000000e+00;
	v15 =	vmin.f32 v16, $4.000000000e+00;
	v16 =	vmax.f32 v24, $0.0e+00;
	v57 =	vld.idx.msk [tilespmem:v23+s22+$0x0], $0xffff  }
0x125: {  	v39 =	vcvt.f32.s32 v39;
	v36 =	vcvt.s32.f32 v61;
	v21 =	vmin.f32 v16, $4.000000000e+00;
	v13 =	vld.idx.msk [tilespmem:v23+s23+$0x0], $0xffff  }
0x126: {  	v60 =	vld.idx.msk [tilespmem:v19+s24+$0x0], $0xffff;
	v16 =	vtrunc.f32 v20;
	v31 =	vtrunc.f32 v15;
	v11 =	vsub.f32 v17, v11  }
0x127: {  	v9 =	vtrunc.f32 v21;
	v27 =	vcvt.f32.s32 v16;
	v17 =	vld.idx.msk [tilespmem:v23+s2+$0x0], $0xffff  }
0x128: {  	v16 =	vld.idx.msk [tilespmem:v18+s23+$0x0], $0xffff;
	v23 =	vcvt.s32.f32 v25;
	v25 =	vmul.f32 v11, v10  }
0x129: {  	v24 =	vadd.f32 v12, v30;
	v30 =	vcvt.f32.s32 v31;
	v28 =	vcvt.f32.s32 v9;
	v9 =	vld.idx.msk [tilespmem:v14+s22+$0x0], $0xffff  }
0x12a: {  	v29 =	vsub.f32 v29, v23;
	v23 =	vld.idx.msk [tilespmem:v19+s23+$0x0], $0xffff;
	v33 =	vmul.f32 v11, v57;
	v25 =	vadd.f32 v25, v13  }
0x12b: {  	v31 =	vcvt.f32.s32 v58;
	v12 =	vshll.u32 v27, $0x4;
	v62 =	vshll.u32 v30, $0x4;
	v10 =	vld.idx.msk [tilespmem:v18+s22+$0x0], $0xffff  }
0x12c: {  	v40 =	vshll.u32 v28, $0x4;
	v11 =	vld.idx.msk [tilespmem:v19+s22+$0x0], $0xffff;
	v63 =	vadd.f32 v33, v17;
	v25 =	vmul.f32 v25, v29  }
0x12d: {  	s14 =	simm.s32 $0x14320;
	v18 =	vld.idx.msk [tilespmem:v18+s2+$0x0], $0xffff;
	v13 =	vadd.s32 v31, v12;
	v12 =	vadd.s32 v61, v62;
	v29 =	vcvt.s32.f32 v31  }
0x12e: {  	s13 =	sadd.s32 s7, s18;
	[tilespmem:s14+$0x10] =	vst v22;
	v17 =	vld.idx.msk [tilespmem:v14+s2+$0x0], $0xffff;
	v14 =	vadd.s32 v39, v40;
	v33 =	vcvt.s32.f32 v39;
	v31 =	vadd.f32 v25, v63  }
0x12f: {  	s15 =	simm.s32 $0x14360;
	s16 =	simm.s32 $0x40;
	s20 =	simm.s32 $0x43A0;
	v19 =	vld.idx.msk [tilespmem:v19+s2+$0x0], $0xffff;
	v22 =	vsub.f32 v55, v29;
	v29 =	vsub.f32 v56, v36;
	v25 =	vmul.f32 v3, v60  }
.LBB2_5:
0x130: {  	v34 =	vld [tilespmem:s20+$0x10];
	s16 =	sadd.s32 $0x40, s16;
	v27 =	vcvt.s32.f32 v27;
	v30 =	vcvt.s32.f32 v30;
	v26 =	vsub.f32 v26, v33;
	[tilespmem:s15+$0x10] =	vst v31  }
0x131: {  	v28 =	vcvt.s32.f32 v28;
	v16 =	vadd.f32 v32, v16;
	v31 =	vld [tilespmem:s20+$0xFFFFFFF0];
	p0 =	slt.u32 s16, $0x3FC0;
	v23 =	vadd.f32 v25, v23  }
0x132: {  	v9 =	vmul.f32 v4, v9;
	v8 =	vmul.f32 v8, v10;
	v4 =	vmovc v22;
	v25 =	vld [tilespmem:s20+$0x0];
	v20 =	vsub.f32 v20, v27  }
0x133: {  	v11 =	vmul.f32 v3, v11;
	v15 =	vsub.f32 v15, v30;
	v21 =	vsub.f32 v21, v28;
	v3 =	vmovc v26;
	v10 =	vld [tilespmem:s20+$0xFFFFFFE0]  }
0x134: {  	v9 =	vadd.f32 v9, v17;
	v17 =	vmul.f32 v24, v5;
	v27 =	vmul.f32 v16, v6;
	v26 =	vld.idx.msk [tilespmem:v13+s24+$0x0], $0xffff  }
0x135: {  	s9 =	sadd.s32 $0x40, s9;
	v28 =	vadd.f32 v8, v18;
	v32 =	vmul.f32 v23, v7;
	v5 =	vmovc v20;
	v16 =	vand.u32 $0x7FFFFFFF, v34;
	v22 =	vld.idx.msk [tilespmem:v12+s24+$0x0], $0xffff  }
0x136: {  	v6 =	vmovc v15;
	v7 =	vmovc v21;
	v18 =	vand.u32 $0x7FFFFFFF, v31;
	v20 =	vld [tilespmem:s9+$0x10];
	v23 =	vmul.f32 v16, v0;
	v31 =	vadd.f32 v11, v19  }
0x137: {  	v9 =	vadd.f32 v17, v9;
	v8 =	vmovc v29;
	v11 =	vld [tilespmem:s9+$0xFFFFFFE0];
	v15 =	vmul.f32 v18, v0;
	v19 =	vand.u32 $0x7FFFFFFF, v25  }
0x138: {  	v10 =	vand.u32 $0x7FFFFFFF, v10;
	v17 =	vld [tilespmem:s9+$0xFFFFFFF0];
	v21 =	vmul.f32 v19, v0;
	v23 =	vfloor.f32 v23  }
0x139: {  	v24 =	vmul.f32 v10, v0;
	v15 =	vfloor.f32 v15;
	v29 =	vld [tilespmem:s9+$0x0];
	v16 =	vsub.f32 v16, v23;
	[tilespmem:s14+$0xFFFFFFE0] =	vst v9  }
0x13a: {  	v30 =	vmul.f32 v4, v26;
	v15 =	vsub.f32 v18, v15;
	v18 =	vfloor.f32 v21;
	v25 =	vld.idx.msk [tilespmem:v14+s24+$0x0], $0xffff  }
0x13b: {  	v21 =	vfloor.f32 v24;
	v23 =	vand.u32 $0x7FFFFFFF, v16;
	v20 =	vsub.f32 v20, v1;
	v9 =	vld.idx.msk [tilespmem:v13+s22+$0x0], $0xffff  }
0x13c: {  	v24 =	vsub.f32 v19, v18;
	v21 =	vsub.f32 v10, v21;
	v18 =	vmul.f32 $1.600000000e+01, v23;
	v33 =	vld.idx.msk [tilespmem:v13+s23+$0x0], $0xffff  }
0x13d: {  	vm0 =	veq.f32 v16, $1.000000000e+00;
	v19 =	vand.u32 $0x7FFFFFFF, v15;
	v20 =	vmul.f32 v20, v2;
	v10 =	vld.idx.msk [tilespmem:v12+s22+$0x0], $0xffff  }
0x13e: {  	v34 =	vand.u32 $0x7FFFFFFF, v24;
	v26 =	vand.u32 $0x7FFFFFFF, v21;
	v18 =	vsel vm0, $0x0, v18;
	v16 =	vld.idx.msk [tilespmem:v12+s23+$0x0], $0xffff  }
0x13f: {  	v35 =	vsub.f32 v11, v1;
	v36 =	vsub.f32 $1.600000000e+01, v18;
	v20 =	vmax.f32 v20, $0.0e+00;
	v11 =	vld.idx.msk [tilespmem:v14+s22+$0x0], $0xffff  }
0x140: {  	v37 =	vsub.f32 v17, v1;
	v29 =	vsub.f32 v29, v1;
	v38 =	vmin.f32 v20, $4.000000000e+00;
	v23 =	vld.idx.msk [tilespmem:v14+s23+$0x0], $0xffff  }
0x141: {  	v20 =	vmul.f32 $1.600000000e+01, v26;
	v36 =	vmin.f32 v18, v36;
	v18 =	vtrunc.f32 v38;
	v17 =	vld.idx.msk [tilespmem:v13+s2+$0x0], $0xffff  }
0x142: {  	vm0 =	veq.f32 v21, $1.000000000e+00;
	v13 =	vtrunc.f32 v36;
	v39 =	vcvt.f32.s32 v18;
	v18 =	vld.idx.msk [tilespmem:v12+s2+$0x0], $0xffff  }
0x143: {  	vm1 =	veq.f32 v15, $1.000000000e+00;
	v12 =	vmul.f32 $1.600000000e+01, v19;
	v13 =	vcvt.f32.s32 v13;
	v19 =	vld.idx.msk [tilespmem:v14+s2+$0x0], $0xffff  }
0x144: {  	vm2 =	veq.f32 v24, $1.000000000e+00;
	v14 =	vmul.f32 $1.600000000e+01, v34;
	v15 =	vshll.u32 v39, $0x4  }
0x145: {  	v21 =	vmul.f32 v35, v2;
	v24 =	vmul.f32 v37, v2;
	v34 =	vadd.s32 v13, v15  }
0x146: {  	v29 =	vmul.f32 v29, v2;
	v26 =	vsel vm0, $0x0, v20;
	v12 =	vsel vm1, $0x0, v12  }
0x147: {  	v35 =	vsub.f32 $1.600000000e+01, v26;
	v37 =	vsub.f32 $1.600000000e+01, v12;
	v14 =	vsel vm2, $0x0, v14  }
0x148: {  	v15 =	vmax.f32 v21, $0.0e+00;
	v21 =	vmax.f32 v24, $0.0e+00;
	v24 =	vsub.f32 $1.600000000e+01, v14  }
0x149: {  	v20 =	vmin.f32 v15, $4.000000000e+00;
	v15 =	vmin.f32 v21, $4.000000000e+00;
	v21 =	vmax.f32 v29, $0.0e+00  }
0x14a: {  	v29 =	vmin.f32 v26, v35;
	v35 =	vmin.f32 v12, v37;
	v21 =	vmin.f32 v21, $4.000000000e+00;
	v12 =	vld.idx.msk [tilespmem:v34+s24+$0x0], $0xffff  }
0x14b: {  	v37 =	vtrunc.f32 v20;
	v40 =	vtrunc.f32 v15;
	v26 =	vmin.f32 v14, v24;
	v14 =	vld.idx.msk [tilespmem:v34+s22+$0x0], $0xffff  }
0x14c: {  	v13 =	vcvt.s32.f32 v13;
	v41 =	vtrunc.f32 v21;
	v24 =	vadd.f32 v30, v33;
	v42 =	vld.idx.msk [tilespmem:v34+s23+$0x0], $0xffff  }
0x14d: {  	v44 =	vadd.f32 v27, v28;
	v33 =	vtrunc.f32 v29;
	v43 =	vtrunc.f32 v35  }
0x14e: {  	v13 =	vsub.f32 v36, v13;
	v27 =	vcvt.f32.s32 v37;
	v37 =	vtrunc.f32 v26;
	v34 =	vld.idx.msk [tilespmem:v34+s2+$0x0], $0xffff  }
0x14f: {  	v31 =	vadd.f32 v32, v31;
	v30 =	vcvt.f32.s32 v40;
	v28 =	vcvt.f32.s32 v41;
	[tilespmem:s14+$0xFFFFFFF0] =	vst v44  }
0x150: {  	v36 =	vcvt.s32.f32 v39;
	v32 =	vshll.u32 v27, $0x4;
	v12 =	vmul.f32 v13, v12  }
0x151: {  	v33 =	vcvt.f32.s32 v33;
	v39 =	vcvt.f32.s32 v43;
	v40 =	vshll.u32 v30, $0x4;
	[tilespmem:s14+$0x0] =	vst v31;
	s14 =	smov.u32 s15  }
0x152: {  	v14 =	vmul.f32 v13, v14;
	v31 =	vsub.f32 v38, v36;
	v36 =	vadd.f32 v12, v42  }
.Ltmp3:
0x153: {  	v13 =	vadd.s32 v33, v32;
	v32 =	vcvt.f32.s32 v37;
	v37 =	vshll.u32 v28, $0x4;
	(pc) =	sbr.rel @p0 .LBB2_5-.Ltmp3, $4  }
0x154: {  	v12 =	vadd.s32 v39, v40;
	v34 =	vadd.f32 v14, v34;
	v31 =	vmul.f32 v36, v31  }
0x155: {  	v38 =	vcvt.s32.f32 v39;
	v36 =	vcvt.s32.f32 v33;
	v14 =	vadd.s32 v32, v37  }
0x156: {  	v33 =	vcvt.s32.f32 v32;
	v32 =	vmul.f32 v8, v22;
	v31 =	vadd.f32 v31, v34  }
0x157: {  	s20 =	sadd.s32 $0x40, s20;
	v25 =	vmul.f32 v3, v25;
	s15 =	sadd.s32 $0x40, s15;
	v22 =	vsub.f32 v29, v36;
	v29 =	vsub.f32 v35, v38  }
0x158: {  	_ =	sdelay $0x3  }
0x159: {  	v34 =	vld.idx.msk [tilespmem:v13+s24+$0x0], $0xffff  }
0x15a: {  	v35 =	vld.idx.msk [tilespmem:v12+s24+$0x0], $0xffff  }
0x15b: {  	v36 =	vld.idx.msk [tilespmem:v14+s24+$0x0], $0xffff  }
0x15c: {  	v37 =	vld.idx.msk [tilespmem:v13+s22+$0x0], $0xffff  }
0x15d: {  	v44 =	vld.idx.msk [tilespmem:v13+s23+$0x0], $0xffff;
	v27 =	vcvt.s32.f32 v27  }
0x15e: {  	v26 =	vsub.f32 v26, v33;
	v30 =	vcvt.s32.f32 v30;
	v45 =	vld.idx.msk [tilespmem:v12+s22+$0x0], $0xffff;
	v46 =	vcvt.s32.f32 v28  }
0x15f: {  	v16 =	vadd.f32 v32, v16;
	v4 =	vmul.f32 v4, v9;
	v47 =	vld.idx.msk [tilespmem:v12+s23+$0x0], $0xffff;
	v8 =	vmul.f32 v8, v10  }
0x160: {  	v49 =	vld.idx.msk [tilespmem:v14+s22+$0x0], $0xffff;
	v3 =	vmul.f32 v3, v11;
	v23 =	vadd.f32 v25, v23;
	v20 =	vsub.f32 v20, v27  }
0x161: {  	v50 =	vld.idx.msk [tilespmem:v14+s23+$0x0], $0xffff;
	v5 =	vmul.f32 v24, v5;
	v48 =	vsub.f32 v15, v30;
	v21 =	vsub.f32 v21, v46  }
0x162: {  	v51 =	vld.idx.msk [tilespmem:v13+s2+$0x0], $0xffff;
	v4 =	vadd.f32 v4, v17;
	v6 =	vmul.f32 v16, v6;
	v8 =	vadd.f32 v8, v18  }
0x163: {  	v53 =	vld.idx.msk [tilespmem:v12+s2+$0x0], $0xffff;
	v3 =	vadd.f32 v3, v19;
	v7 =	vmul.f32 v23, v7;
	v52 =	vmul.f32 v22, v34  }
0x164: {  	v54 =	vld.idx.msk [tilespmem:v14+s2+$0x0], $0xffff;
	v4 =	vadd.f32 v5, v4;
	v6 =	vadd.f32 v6, v8;
	v55 =	vmul.f32 v29, v35  }
0x165: {  	v56 =	vmul.f32 v26, v36;
	v57 =	vmul.f32 v22, v37;
	v16 =	vadd.f32 v52, v44  }
0x166: {  	v58 =	vmul.f32 v29, v45;
	v15 =	vmul.f32 v26, v49;
	v9 =	vadd.f32 v55, v47  }
0x167: {  	[tilespmem:s15+$0x10] =	vst v31;
	v11 =	vadd.f32 v56, v50;
	v8 =	vadd.f32 v57, v51;
	v59 =	vmul.f32 v16, v20  }
0x168: {  	v3 =	vadd.f32 v7, v3;
	[tilespmem:s14+$0xFFFFFFE0] =	vst v4;
	v61 =	vadd.f32 v58, v53;
	v60 =	vmul.f32 v9, v48  }
0x169: {  	[tilespmem:s14+$0xFFFFFFF0] =	vst v6;
	v5 =	vadd.f32 v15, v54;
	v62 =	vmul.f32 v11, v21;
	v8 =	vadd.f32 v59, v8  }
.Ltmp4:
0x16a: {  	[tilespmem:s14+$0x0] =	vst v3;
	v3 =	vadd.f32 v60, v61;
	(pc) =	sbr.rel @p1 .LBB2_8-.Ltmp4, $4  }
0x16b: {  	v63 =	vadd.f32 v62, v5;
	[tilespmem:s15+$0xFFFFFFE0] =	vst v8  }
0x16c: {  	s9 =	sshrl.u32 s13, $0x3;
	[tilespmem:s15+$0xFFFFFFF0] =	vst v3  }
0x16d: {  	s9 =	sadd.s32 s12, s9;
	[tilespmem:s15+$0x0] =	vst v63  }
0x16e: {  	[hbm4b:s9+s2] =	stream.linear.scatter [tilespmem:s29], [sflag:$0x6], $0x4000, $0x38;
	[tilespmem:$0x18300] =	vst v63  }
0x16f: {  	s7 =	sadd.s32 s7, s19  }
.Ltmp5:
0x170: {  	s7 =	sshrl.u32 s7, $0x3;
	(pc) =	sbr.rel .LBB2_2-.Ltmp5, $4  }
0x171: {  	s9 =	sadd.s32 s10, s7  }
0x172: {  	[tilespmem:s30], [sflag:$0x2] =	stream.linear.gather [hbm4b:s9+s2], $0x4000, $0x38;
	[tilespmem:$0x18300] =	vst v63  }
0x173: {  	s6 =	sadd.s32 $0x1, s6;
	s7 =	sadd.s32 s11, s7  }
0x174: {  	[tilespmem:s31], [sflag:$0x4] =	stream.linear.gather [hbm4b:s7+s2], $0x4000, $0x38;
	[tilespmem:$0x18300] =	vst v63  }
.LBB2_9:
0x175: {  	_ =	sfence.sel $0x180000  }
0x176: {  	[bflag:$0x0] =	sbarrier.arrive $0xFFFF  }
0x177: {  	_ =	strace $0x90000047  }
0x178: {  	s0 =	stileid.u32;
	[bflag:$0x2] =	sbarrier.arrive $0xFFFF  }
0x179: {  	p0 =	sne.s32 s0, $0x0;
	s0 =	rddreg [dreg:$0x1]  }
0x17a: {  	s0 =	sadd.s32 @!p0 $0x100000, s0  }
0x17b: {  	[sflag:s0] =	ssyncadd.tile.s32 @!p0 $0x1;
	_ =	shalt  }
.Lfunc_end2:
_tile_overlayer_lowered:
.L_overlay_start_2:
0x17c: {  	(tag) =	ssettag $0x2  }
0x17d: {  	s0 =	rddreg [dreg:$0x0];
	s2 =	stileid.u32  }
0x17e: {  	s1 =	rddreg [dreg:$0x1];
	p0 =	sne.s32 s2, $0x0  }
0x17f: {  	s3 =	rddreg [dreg:$0x2];
	[bflag:$0x3] =	sbarrier.arrive $0xFFFF;
	s2 =	simm.s32 @!p0 $0x1C07  }
0x180: {  	[timem:s3], [sflag:s2] =	dma.local @!p0 [hbm:s0], s1  }
0x181: {  	s0 =	simm.s32 @!p0 $0x7  }
0x182: {  	_ =	swait.ge @!p0 [sflag:s0], s1  }
0x183: {  	s1 =	ssub.s32 @!p0 $0x0, s1;
	[sflag:s0] =	ssyncset.done @!p0 $0x0  }
0x184: {  	[sflag:s0] =	ssyncadd.s32 @!p0 s1  }
0x185: {  	[bflag:$0x3] =	sbarrier.arrive $0xFFFF  }
0x186: {  	_ =	shalt  }

</sc_bundles>
